<compile_context>
chip_gen: v7x
topology: tpu7x:2x2x1
jax: 0.10.2.dev20260603
libtpu: 0.0.44.dev20260713+nightly
codegen_flags: <defaults>
</compile_context>

<pallas_src>
import functools

import jax
import jax.numpy as jnp
from jax import lax
from jax.experimental import pallas as pl
from jax.experimental.pallas import tpu as pltpu
from jax.experimental.pallas import tpu_sc as plsc

VOCAB = 1000000
EMB = 32
SEQ = 50
BATCH = 16384
NUM_WORKERS = 32
BCH = 512
NB_C = BATCH // BCH
N_BLOCKS = SEQ * NB_C
BLK_PER_TILE = N_BLOCKS // NUM_WORKERS
CHUNK = 128
K_PER_BLK = BCH // CHUNK


def _gather_kernel(xT_hbm, emb_hbm, out_hbm,
                   idx_v, rows0, rows1, tout0, tout1,
                   gsem0, gsem1, wsem0, wsem1):
    wid = lax.axis_index("s") * 2 + lax.axis_index("c")
    b0 = wid * BLK_PER_TILE
    iota = lax.iota(jnp.int32, 16)
    rows = (rows0, rows1)
    touts = (tout0, tout1)
    gsems = (gsem0, gsem1)
    wsems = (wsem0, wsem1)

    def load_idx(bi, buf):
        s = bi // NB_C
        c = bi % NB_C
        pltpu.sync_copy(
            xT_hbm.at[s, c], idx_v.at[pl.ds(K_PER_BLK * buf, K_PER_BLK)]
        )

    def fire(buf):
        for q in range(K_PER_BLK):
            pltpu.async_copy(
                emb_hbm.at[idx_v.at[K_PER_BLK * buf + q]],
                rows[buf].at[pl.ds(q * CHUNK, CHUNK)],
                gsems[buf],
            )

    def drain_g(buf):
        pltpu.make_async_copy(
            emb_hbm.at[pl.ds(0, BCH)], rows[buf], gsems[buf]
        ).wait()

    flo = iota
    fhi = iota + 16

    def transpose(buf):
        @plsc.parallel_loop(0, BCH, unroll=16)
        def _(r):
            rv = jnp.full((16,), r, jnp.int32)
            v0 = rows[buf][r, pl.ds(0, 16)]
            v1 = rows[buf][r, pl.ds(16, 16)]
            plsc.store_scatter(touts[buf], [flo, rv], v0)
            plsc.store_scatter(touts[buf], [fhi, rv], v1)

    def write(bi, buf):
        s = bi // NB_C
        c = bi % NB_C
        pltpu.async_copy(
            touts[buf].at[:, pl.ds(0, BCH)],
            out_hbm.at[s, :, pl.ds(c * BCH, BCH)],
            wsems[buf],
        )

    def drain_w(buf):
        pltpu.make_async_copy(
            touts[buf].at[:, pl.ds(0, BCH)],
            out_hbm.at[0, :, pl.ds(0, BCH)],
            wsems[buf],
        ).wait()

    load_idx(b0, 0)
    fire(0)

    def pair(t, _):
        for buf in range(2):
            k = 2 * t + buf
            bi = b0 + k
            drain_g(buf)

            @pl.when(k + 1 < BLK_PER_TILE)
            def _():
                load_idx(bi + 1, 1 - buf)
                fire(1 - buf)

            @pl.when(k >= 2)
            def _():
                drain_w(buf)

            transpose(buf)
            write(bi, buf)
        return 0

    lax.fori_loop(0, BLK_PER_TILE // 2, pair, 0)
    drain_w(0)
    drain_w(1)


@jax.jit
def _embed_lookup(xT, emb):
    mesh = plsc.VectorSubcoreMesh(core_axis_name="c", subcore_axis_name="s")
    run = functools.partial(
        pl.kernel,
        mesh=mesh,
        out_type=jax.ShapeDtypeStruct((SEQ, EMB, BATCH), jnp.float32),
        scratch_types=[
            pltpu.VMEM((2 * K_PER_BLK, CHUNK), jnp.int32),
            pltpu.VMEM((BCH, EMB), jnp.float32),
            pltpu.VMEM((BCH, EMB), jnp.float32),
            pltpu.VMEM((EMB, BCH + 1), jnp.float32),
            pltpu.VMEM((EMB, BCH + 1), jnp.float32),
            pltpu.SemaphoreType.DMA,
            pltpu.SemaphoreType.DMA,
            pltpu.SemaphoreType.DMA,
            pltpu.SemaphoreType.DMA,
        ],
        compiler_params=pltpu.CompilerParams(
            use_tc_tiling_on_sc=False,
            needs_layout_passes=False,
            disable_bounds_checks=True,
        ),
    )(_gather_kernel)
    return run(xT, emb)


def kernel(x, single, emb):
    del single
    xT = x.astype(jnp.int32).T.reshape(SEQ, NB_C, K_PER_BLK, CHUNK)
    out = _embed_lookup(xT, emb)
    return jnp.transpose(out, (2, 0, 1))

# --- scband reference (transcript-rebuilt; emitter-appended) ---
"""Pipeline reference for scband-embed-layer-49701361549812 (READ-ONLY COPY).

The authoritative reference and input builder live on the scoring server;
editing this copy changes nothing except your own understanding.
"""

import jax, jax.numpy as jnp
import numpy as np

VOCAB = 1000000
EMB = 32

def setup_inputs(seed: int = 0) -> dict:
    key = jax.random.key(seed)
    k1, k2 = jax.random.split(key)
    x = jax.random.randint(k1, (16384, 50), 0, VOCAB, dtype=jnp.int64) if jax.config.jax_enable_x64 else jax.random.randint(k1, (16384, 50), 0, VOCAB, dtype=jnp.int32)
    emb = jax.random.normal(k2, (VOCAB, EMB), dtype=jnp.float32)
    return {"x": x, "single": 1, "emb": emb}

def reference(x, single, emb):
    # Faithful translation of EmbedLayer.forward
    # setup_inputs always passes single=1, so the truthy branch is statically
    # selected; single is folded into the indices (x * 1 == x) to keep the
    # traced dependence on the argument.
    idx = x * jnp.asarray(single, dtype=x.dtype)
    return jnp.take(emb, idx, axis=0)

if __name__ == "__main__":
    import jax
    _d = setup_inputs()
    print(jax.jit(kernel)(*tuple(_d.values())))

</pallas_src>

<mosaic_0001>
#map = affine_map<(d0, d1) -> (0, 0, 0, 0)>
#map1 = affine_map<(d0, d1) -> (0, 0)>
#map2 = affine_map<(d0, d1) -> (0, 0, 0)>
module attributes {stable_mosaic.version = 14 : i64} {
  func.func @_gather_kernel(%arg0: i32, %arg1: i32, %arg2: memref<50x32x4x128xi32, #tpu.memory_space<hbm>>, %arg3: memref<1000000x32xf32, #tpu.memory_space<hbm>>, %arg4: memref<50x32x16384xf32, #tpu.memory_space<hbm>>, %arg5: memref<8x128xi32, #tpu.memory_space<vmem>>, %arg6: memref<512x32xf32, #tpu.memory_space<vmem>>, %arg7: memref<512x32xf32, #tpu.memory_space<vmem>>, %arg8: memref<32x513xf32, #tpu.memory_space<vmem>>, %arg9: memref<32x513xf32, #tpu.memory_space<vmem>>, %arg10: memref<!tpu.dma_semaphore, #tpu.memory_space<semaphore_mem>>, %arg11: memref<!tpu.dma_semaphore, #tpu.memory_space<semaphore_mem>>, %arg12: memref<!tpu.dma_semaphore, #tpu.memory_space<semaphore_mem>>, %arg13: memref<!tpu.dma_semaphore, #tpu.memory_space<semaphore_mem>>) attributes {dimension_semantics = [#tpu.dimension_semantics<core_parallel>, #tpu.dimension_semantics<subcore_parallel>], iteration_bounds = array<i64: 2, 16>, scalar_prefetch = 0 : i64, scratch_operands = 9 : i64, tpu.core_type = #tpu.core_type<sc_vector_subcore>, window_params = [{transform_indices = #map}, {transform_indices = #map1}, {transform_indices = #map2}]} {
    %mul3A = arith.constant 2 : i32
    %mul3A_0 = arith.muli %arg1, %mul3A : i32
    %add3A = arith.addi %mul3A_0, %arg0 : i32
    %mul3A_1 = arith.constant 50 : i32
    %mul3A_2 = arith.muli %add3A, %mul3A_1 : i32
    %iota3A = tpu.iota {dimensions = array<i32: 0>} : vector<16xi32>
    %add3A_3 = arith.constant 16 : i32
    %add3A_4 = vector.broadcast %add3A_3 : i32 to vector<16xi32>
    %add3A_5 = arith.addi %iota3A, %add3A_4 : vector<16xi32>
    %jit3A = arith.constant 32 : i32
    %div3A = arith.divsi %mul3A_2, %jit3A : i32
    %sign3A = arith.constant 0 : i32
    %sign3A_6 = arith.cmpi sgt, %mul3A_2, %sign3A : i32
    %sign3A_7 = arith.extui %sign3A_6 : i1 to i32
    %sign3A_8 = arith.constant 0 : i32
    %sign3A_9 = arith.cmpi slt, %mul3A_2, %sign3A_8 : i32
    %sign3A_10 = arith.extui %sign3A_9 : i1 to i32
    %sign3A_11 = arith.subi %sign3A_7, %sign3A_10 : i32
    %sign3A_12 = arith.constant 0 : i32
    %sign3A_13 = arith.cmpi sgt, %jit3A, %sign3A_12 : i32
    %sign3A_14 = arith.extui %sign3A_13 : i1 to i32
    %sign3A_15 = arith.constant 0 : i32
    %sign3A_16 = arith.cmpi slt, %jit3A, %sign3A_15 : i32
    %sign3A_17 = arith.extui %sign3A_16 : i1 to i32
    %sign3A_18 = arith.subi %sign3A_14, %sign3A_17 : i32
    %ne3A = arith.cmpi ne, %sign3A_11, %sign3A_18 : i32
    %rem3A = arith.remsi %mul3A_2, %jit3A : i32
    %ne3A_19 = arith.constant 0 : i32
    %ne3A_20 = arith.cmpi ne, %rem3A, %ne3A_19 : i32
    %and3A = arith.andi %ne3A, %ne3A_20 : i1
    %sub3A = arith.constant 1 : i32
    %sub3A_21 = arith.subi %div3A, %sub3A : i32
    %select_n3A = arith.select %and3A, %sub3A_21, %div3A : i32
    %jit3A_22 = arith.constant 32 : i32
    %eq3A = arith.constant 0 : i32
    %eq3A_23 = arith.cmpi eq, %jit3A_22, %eq3A : i32
    %jit3A_24 = arith.constant 1 : i32
    %select_n3A_25 = arith.select %eq3A_23, %jit3A_24, %jit3A_22 : i32
    %rem3A_26 = arith.remsi %mul3A_2, %select_n3A_25 : i32
    %ne3A_27 = arith.constant 0 : i32
    %ne3A_28 = arith.cmpi ne, %rem3A_26, %ne3A_27 : i32
    %lt3A = arith.constant 0 : i32
    %lt3A_29 = arith.cmpi slt, %rem3A_26, %lt3A : i32
    %lt3A_30 = arith.constant 0 : i32
    %lt3A_31 = arith.cmpi slt, %select_n3A_25, %lt3A_30 : i32
    %ne3A_32 = arith.xori %lt3A_29, %lt3A_31 : i1
    %and3A_33 = arith.andi %ne3A_32, %ne3A_28 : i1
    %add3A_34 = arith.addi %rem3A_26, %select_n3A_25 : i32
    %select_n3A_35 = arith.select %and3A_33, %add3A_34, %rem3A_26 : i32
    "tpu.region"() ({
      %run_scoped3A = tpu.sem_alloc : memref<!tpu.dma_semaphore, #tpu.memory_space<semaphore_mem>>
      %dma_start3A_110 = arith.constant 0 : i32
      %dma_start3A_111 = arith.constant 0 : i32
      %dma_start3A_112 = tpu.memref_slice %arg5[%dma_start3A_110, %dma_start3A_111] : memref<8x128xi32, #tpu.memory_space<vmem>> -> memref<4x128xi32, #tpu.memory_space<vmem>>
      %dma_start3A_113 = arith.constant 0 : i32
      %dma_start3A_114 = arith.constant 0 : i32
      %dma_start3A_115 = tpu.memref_slice %arg2[%select_n3A, %select_n3A_35, %dma_start3A_113, %dma_start3A_114] : memref<50x32x4x128xi32, #tpu.memory_space<hbm>> -> memref<1x1x4x128xi32, #tpu.memory_space<hbm>>
      %dma_start3A_116 = tpu.memref_squeeze %dma_start3A_115 : memref<1x1x4x128xi32, #tpu.memory_space<hbm>> -> memref<4x128xi32, #tpu.memory_space<hbm>>
      %dma_start3A_117 = arith.constant 0 : i32
      %dma_start3A_118 = arith.constant 0 : i32
      %dma_start3A_119 = tpu.memref_slice %arg5[%dma_start3A_117, %dma_start3A_118] : memref<8x128xi32, #tpu.memory_space<vmem>> -> memref<4x128xi32, #tpu.memory_space<vmem>>
      %dma_start3A_120 = arith.constant 0 : i32
      %dma_start3A_121 = arith.constant 0 : i32
      %dma_start3A_122 = tpu.memref_slice %arg2[%select_n3A, %select_n3A_35, %dma_start3A_120, %dma_start3A_121] : memref<50x32x4x128xi32, #tpu.memory_space<hbm>> -> memref<1x1x4x128xi32, #tpu.memory_space<hbm>>
      %dma_start3A_123 = tpu.memref_squeeze %dma_start3A_122 : memref<1x1x4x128xi32, #tpu.memory_space<hbm>> -> memref<4x128xi32, #tpu.memory_space<hbm>>
      tpu.enqueue_dma source(%dma_start3A_123 : memref<4x128xi32, #tpu.memory_space<hbm>>) target(%dma_start3A_119 : memref<4x128xi32, #tpu.memory_space<vmem>>) target_semaphore(%run_scoped3A : memref<!tpu.dma_semaphore, #tpu.memory_space<semaphore_mem>>)
      %dma_wait3A_124 = arith.constant 0 : i32
      %dma_wait3A_125 = arith.constant 0 : i32
      %dma_wait3A_126 = tpu.memref_slice %arg5[%dma_wait3A_124, %dma_wait3A_125] : memref<8x128xi32, #tpu.memory_space<vmem>> -> memref<4x128xi32, #tpu.memory_space<vmem>>
      %dma_wait3A_127 = arith.constant 0 : i32
      %dma_wait3A_128 = arith.constant 0 : i32
      %dma_wait3A_129 = tpu.memref_slice %arg2[%select_n3A, %select_n3A_35, %dma_wait3A_127, %dma_wait3A_128] : memref<50x32x4x128xi32, #tpu.memory_space<hbm>> -> memref<1x1x4x128xi32, #tpu.memory_space<hbm>>
      %dma_wait3A_130 = tpu.memref_squeeze %dma_wait3A_129 : memref<1x1x4x128xi32, #tpu.memory_space<hbm>> -> memref<4x128xi32, #tpu.memory_space<hbm>>
      %dma_wait3A_131 = arith.constant 0 : i32
      %dma_wait3A_132 = arith.constant 0 : i32
      %dma_wait3A_133 = tpu.memref_slice %arg5[%dma_wait3A_131, %dma_wait3A_132] : memref<8x128xi32, #tpu.memory_space<vmem>> -> memref<4x128xi32, #tpu.memory_space<vmem>>
      %dma_wait3A_134 = arith.constant 0 : i32
      %dma_wait3A_135 = arith.constant 0 : i32
      %dma_wait3A_136 = tpu.memref_slice %arg2[%select_n3A, %select_n3A_35, %dma_wait3A_134, %dma_wait3A_135] : memref<50x32x4x128xi32, #tpu.memory_space<hbm>> -> memref<1x1x4x128xi32, #tpu.memory_space<hbm>>
      %dma_wait3A_137 = tpu.memref_squeeze %dma_wait3A_136 : memref<1x1x4x128xi32, #tpu.memory_space<hbm>> -> memref<4x128xi32, #tpu.memory_space<hbm>>
      tpu.wait_dma2 semaphore(%run_scoped3A : memref<!tpu.dma_semaphore, #tpu.memory_space<semaphore_mem>>) src(%dma_wait3A_137 : memref<4x128xi32, #tpu.memory_space<hbm>>) dst(%dma_wait3A_133 : memref<4x128xi32, #tpu.memory_space<vmem>>)
      tpu.yield
    }) : () -> ()
    %dma_start3A = arith.constant 0 : i32
    %dma_start3A_36 = arith.constant 0 : i32
    %dma_start3A_37 = arith.constant 0 : i32
    %dma_start3A_38 = tpu.memref_slice %arg6[%dma_start3A_36, %dma_start3A_37] : memref<512x32xf32, #tpu.memory_space<vmem>> -> memref<128x32xf32, #tpu.memory_space<vmem>>
    %dma_start3A_39 = arith.constant 0 : i32
    %dma_start3A_40 = tpu.memref_slice %arg5[%dma_start3A, %dma_start3A_39] : memref<8x128xi32, #tpu.memory_space<vmem>> -> memref<1x128xi32, #tpu.memory_space<vmem>>
    %dma_start3A_41 = tpu.memref_squeeze %dma_start3A_40 : memref<1x128xi32, #tpu.memory_space<vmem>> -> memref<128xi32, #tpu.memory_space<vmem>>
    %dma_start3A_42 = arith.constant 0 : i32
    %dma_start3A_43 = arith.constant 0 : i32
    %dma_start3A_44 = tpu.memref_slice %arg3[%dma_start3A_42, %dma_start3A_43] : memref<1000000x32xf32, #tpu.memory_space<hbm>> -> memref<1000000x32xf32, #tpu.memory_space<hbm>>
    tpu.enqueue_indirect_dma source(%dma_start3A_44 : memref<1000000x32xf32, #tpu.memory_space<hbm>>) target(%dma_start3A_38 : memref<128x32xf32, #tpu.memory_space<vmem>>) offsets(%dma_start3A_41 : memref<128xi32, #tpu.memory_space<vmem>>) semaphore(%arg10 : memref<!tpu.dma_semaphore, #tpu.memory_space<semaphore_mem>>)
    %dma_start3A_45 = arith.constant 1 : i32
    %dma_start3A_46 = arith.constant 128 : i32
    %dma_start3A_47 = arith.constant 0 : i32
    %dma_start3A_48 = tpu.memref_slice %arg6[%dma_start3A_46, %dma_start3A_47] : memref<512x32xf32, #tpu.memory_space<vmem>> -> memref<128x32xf32, #tpu.memory_space<vmem>>
    %dma_start3A_49 = arith.constant 0 : i32
    %dma_start3A_50 = tpu.memref_slice %arg5[%dma_start3A_45, %dma_start3A_49] : memref<8x128xi32, #tpu.memory_space<vmem>> -> memref<1x128xi32, #tpu.memory_space<vmem>>
    %dma_start3A_51 = tpu.memref_squeeze %dma_start3A_50 : memref<1x128xi32, #tpu.memory_space<vmem>> -> memref<128xi32, #tpu.memory_space<vmem>>
    %dma_start3A_52 = arith.constant 0 : i32
    %dma_start3A_53 = arith.constant 0 : i32
    %dma_start3A_54 = tpu.memref_slice %arg3[%dma_start3A_52, %dma_start3A_53] : memref<1000000x32xf32, #tpu.memory_space<hbm>> -> memref<1000000x32xf32, #tpu.memory_space<hbm>>
    tpu.enqueue_indirect_dma source(%dma_start3A_54 : memref<1000000x32xf32, #tpu.memory_space<hbm>>) target(%dma_start3A_48 : memref<128x32xf32, #tpu.memory_space<vmem>>) offsets(%dma_start3A_51 : memref<128xi32, #tpu.memory_space<vmem>>) semaphore(%arg10 : memref<!tpu.dma_semaphore, #tpu.memory_space<semaphore_mem>>)
    %dma_start3A_55 = arith.constant 2 : i32
    %dma_start3A_56 = arith.constant 256 : i32
    %dma_start3A_57 = arith.constant 0 : i32
    %dma_start3A_58 = tpu.memref_slice %arg6[%dma_start3A_56, %dma_start3A_57] : memref<512x32xf32, #tpu.memory_space<vmem>> -> memref<128x32xf32, #tpu.memory_space<vmem>>
    %dma_start3A_59 = arith.constant 0 : i32
    %dma_start3A_60 = tpu.memref_slice %arg5[%dma_start3A_55, %dma_start3A_59] : memref<8x128xi32, #tpu.memory_space<vmem>> -> memref<1x128xi32, #tpu.memory_space<vmem>>
    %dma_start3A_61 = tpu.memref_squeeze %dma_start3A_60 : memref<1x128xi32, #tpu.memory_space<vmem>> -> memref<128xi32, #tpu.memory_space<vmem>>
    %dma_start3A_62 = arith.constant 0 : i32
    %dma_start3A_63 = arith.constant 0 : i32
    %dma_start3A_64 = tpu.memref_slice %arg3[%dma_start3A_62, %dma_start3A_63] : memref<1000000x32xf32, #tpu.memory_space<hbm>> -> memref<1000000x32xf32, #tpu.memory_space<hbm>>
    tpu.enqueue_indirect_dma source(%dma_start3A_64 : memref<1000000x32xf32, #tpu.memory_space<hbm>>) target(%dma_start3A_58 : memref<128x32xf32, #tpu.memory_space<vmem>>) offsets(%dma_start3A_61 : memref<128xi32, #tpu.memory_space<vmem>>) semaphore(%arg10 : memref<!tpu.dma_semaphore, #tpu.memory_space<semaphore_mem>>)
    %dma_start3A_65 = arith.constant 3 : i32
    %dma_start3A_66 = arith.constant 384 : i32
    %dma_start3A_67 = arith.constant 0 : i32
    %dma_start3A_68 = tpu.memref_slice %arg6[%dma_start3A_66, %dma_start3A_67] : memref<512x32xf32, #tpu.memory_space<vmem>> -> memref<128x32xf32, #tpu.memory_space<vmem>>
    %dma_start3A_69 = arith.constant 0 : i32
    %dma_start3A_70 = tpu.memref_slice %arg5[%dma_start3A_65, %dma_start3A_69] : memref<8x128xi32, #tpu.memory_space<vmem>> -> memref<1x128xi32, #tpu.memory_space<vmem>>
    %dma_start3A_71 = tpu.memref_squeeze %dma_start3A_70 : memref<1x128xi32, #tpu.memory_space<vmem>> -> memref<128xi32, #tpu.memory_space<vmem>>
    %dma_start3A_72 = arith.constant 0 : i32
    %dma_start3A_73 = arith.constant 0 : i32
    %dma_start3A_74 = tpu.memref_slice %arg3[%dma_start3A_72, %dma_start3A_73] : memref<1000000x32xf32, #tpu.memory_space<hbm>> -> memref<1000000x32xf32, #tpu.memory_space<hbm>>
    tpu.enqueue_indirect_dma source(%dma_start3A_74 : memref<1000000x32xf32, #tpu.memory_space<hbm>>) target(%dma_start3A_68 : memref<128x32xf32, #tpu.memory_space<vmem>>) offsets(%dma_start3A_71 : memref<128xi32, #tpu.memory_space<vmem>>) semaphore(%arg10 : memref<!tpu.dma_semaphore, #tpu.memory_space<semaphore_mem>>)
    %scan3A = arith.constant 0 : i32
    %scan3A_75 = arith.constant 0 : i32
    %scan3A_76 = arith.constant 25 : i32
    %scan3A_77 = arith.addi %scan3A_75, %scan3A_76 : i32
    %scan3A_78 = arith.constant 1 : i32
    %scan3A_79 = scf.for %scan3A_110 = %scan3A_75 to %scan3A_77 step %scan3A_78 iter_args(%scan3A_111 = %scan3A) -> (i32)  : i32 {
      %mul3A_112 = arith.constant 2 : i32
      %mul3A_113 = arith.muli %mul3A_112, %scan3A_110 : i32
      %add3A_114 = arith.constant 0 : i32
      %add3A_115 = arith.addi %mul3A_113, %add3A_114 : i32
      %add3A_116 = arith.addi %mul3A_2, %add3A_115 : i32
      %dma_wait3A_117 = arith.constant 0 : i32
      %dma_wait3A_118 = arith.constant 0 : i32
      %dma_wait3A_119 = tpu.memref_slice %arg3[%dma_wait3A_117, %dma_wait3A_118] : memref<1000000x32xf32, #tpu.memory_space<hbm>> -> memref<512x32xf32, #tpu.memory_space<hbm>>
      %dma_wait3A_120 = arith.constant 0 : i32
      %dma_wait3A_121 = arith.constant 0 : i32
      %dma_wait3A_122 = tpu.memref_slice %arg3[%dma_wait3A_120, %dma_wait3A_121] : memref<1000000x32xf32, #tpu.memory_space<hbm>> -> memref<512x32xf32, #tpu.memory_space<hbm>>
      tpu.wait_dma2 semaphore(%arg10 : memref<!tpu.dma_semaphore, #tpu.memory_space<semaphore_mem>>) src(%dma_wait3A_122 : memref<512x32xf32, #tpu.memory_space<hbm>>) dst(%arg6 : memref<512x32xf32, #tpu.memory_space<vmem>>)
      %add3A_123 = arith.constant 1 : i32
      %add3A_124 = arith.addi %add3A_115, %add3A_123 : i32
      %lt3A_125 = arith.constant 50 : i32
      %lt3A_126 = arith.cmpi slt, %add3A_124, %lt3A_125 : i32
      %convert_element_type3A = arith.extui %lt3A_126 : i1 to i32
      %cond3A = arith.constant 0 : i32
      %cond3A_127 = arith.cmpi ne, %convert_element_type3A, %cond3A : i32
      scf.if %cond3A_127 {
        %add3A_269 = arith.constant 1 : i32
        %add3A_270 = arith.addi %add3A_116, %add3A_269 : i32
        %jit3A_271 = arith.constant 32 : i32
        %div3A_272 = arith.divsi %add3A_270, %jit3A_271 : i32
        %sign3A_273 = arith.constant 0 : i32
        %sign3A_274 = arith.cmpi sgt, %add3A_270, %sign3A_273 : i32
        %sign3A_275 = arith.extui %sign3A_274 : i1 to i32
        %sign3A_276 = arith.constant 0 : i32
        %sign3A_277 = arith.cmpi slt, %add3A_270, %sign3A_276 : i32
        %sign3A_278 = arith.extui %sign3A_277 : i1 to i32
        %sign3A_279 = arith.subi %sign3A_275, %sign3A_278 : i32
        %sign3A_280 = arith.constant 0 : i32
        %sign3A_281 = arith.cmpi sgt, %jit3A_271, %sign3A_280 : i32
        %sign3A_282 = arith.extui %sign3A_281 : i1 to i32
        %sign3A_283 = arith.constant 0 : i32
        %sign3A_284 = arith.cmpi slt, %jit3A_271, %sign3A_283 : i32
        %sign3A_285 = arith.extui %sign3A_284 : i1 to i32
        %sign3A_286 = arith.subi %sign3A_282, %sign3A_285 : i32
        %ne3A_287 = arith.cmpi ne, %sign3A_279, %sign3A_286 : i32
        %rem3A_288 = arith.remsi %add3A_270, %jit3A_271 : i32
        %ne3A_289 = arith.constant 0 : i32
        %ne3A_290 = arith.cmpi ne, %rem3A_288, %ne3A_289 : i32
        %and3A_291 = arith.andi %ne3A_287, %ne3A_290 : i1
        %sub3A_292 = arith.constant 1 : i32
        %sub3A_293 = arith.subi %div3A_272, %sub3A_292 : i32
        %select_n3A_294 = arith.select %and3A_291, %sub3A_293, %div3A_272 : i32
        %jit3A_295 = arith.constant 32 : i32
        %eq3A_296 = arith.constant 0 : i32
        %eq3A_297 = arith.cmpi eq, %jit3A_295, %eq3A_296 : i32
        %jit3A_298 = arith.constant 1 : i32
        %select_n3A_299 = arith.select %eq3A_297, %jit3A_298, %jit3A_295 : i32
        %rem3A_300 = arith.remsi %add3A_270, %select_n3A_299 : i32
        %ne3A_301 = arith.constant 0 : i32
        %ne3A_302 = arith.cmpi ne, %rem3A_300, %ne3A_301 : i32
        %lt3A_303 = arith.constant 0 : i32
        %lt3A_304 = arith.cmpi slt, %rem3A_300, %lt3A_303 : i32
        %lt3A_305 = arith.constant 0 : i32
        %lt3A_306 = arith.cmpi slt, %select_n3A_299, %lt3A_305 : i32
        %ne3A_307 = arith.xori %lt3A_304, %lt3A_306 : i1
        %and3A_308 = arith.andi %ne3A_307, %ne3A_302 : i1
        %add3A_309 = arith.addi %rem3A_300, %select_n3A_299 : i32
        %select_n3A_310 = arith.select %and3A_308, %add3A_309, %rem3A_300 : i32
        "tpu.region"() ({
          %run_scoped3A = tpu.sem_alloc : memref<!tpu.dma_semaphore, #tpu.memory_space<semaphore_mem>>
          %dma_start3A_351 = arith.constant 4 : i32
          %dma_start3A_352 = arith.constant 0 : i32
          %dma_start3A_353 = tpu.memref_slice %arg5[%dma_start3A_351, %dma_start3A_352] : memref<8x128xi32, #tpu.memory_space<vmem>> -> memref<4x128xi32, #tpu.memory_space<vmem>>
          %dma_start3A_354 = arith.constant 0 : i32
          %dma_start3A_355 = arith.constant 0 : i32
          %dma_start3A_356 = tpu.memref_slice %arg2[%select_n3A_294, %select_n3A_310, %dma_start3A_354, %dma_start3A_355] : memref<50x32x4x128xi32, #tpu.memory_space<hbm>> -> memref<1x1x4x128xi32, #tpu.memory_space<hbm>>
          %dma_start3A_357 = tpu.memref_squeeze %dma_start3A_356 : memref<1x1x4x128xi32, #tpu.memory_space<hbm>> -> memref<4x128xi32, #tpu.memory_space<hbm>>
          %dma_start3A_358 = arith.constant 4 : i32
          %dma_start3A_359 = arith.constant 0 : i32
          %dma_start3A_360 = tpu.memref_slice %arg5[%dma_start3A_358, %dma_start3A_359] : memref<8x128xi32, #tpu.memory_space<vmem>> -> memref<4x128xi32, #tpu.memory_space<vmem>>
          %dma_start3A_361 = arith.constant 0 : i32
          %dma_start3A_362 = arith.constant 0 : i32
          %dma_start3A_363 = tpu.memref_slice %arg2[%select_n3A_294, %select_n3A_310, %dma_start3A_361, %dma_start3A_362] : memref<50x32x4x128xi32, #tpu.memory_space<hbm>> -> memref<1x1x4x128xi32, #tpu.memory_space<hbm>>
          %dma_start3A_364 = tpu.memref_squeeze %dma_start3A_363 : memref<1x1x4x128xi32, #tpu.memory_space<hbm>> -> memref<4x128xi32, #tpu.memory_space<hbm>>
          tpu.enqueue_dma source(%dma_start3A_364 : memref<4x128xi32, #tpu.memory_space<hbm>>) target(%dma_start3A_360 : memref<4x128xi32, #tpu.memory_space<vmem>>) target_semaphore(%run_scoped3A : memref<!tpu.dma_semaphore, #tpu.memory_space<semaphore_mem>>)
          %dma_wait3A_365 = arith.constant 4 : i32
          %dma_wait3A_366 = arith.constant 0 : i32
          %dma_wait3A_367 = tpu.memref_slice %arg5[%dma_wait3A_365, %dma_wait3A_366] : memref<8x128xi32, #tpu.memory_space<vmem>> -> memref<4x128xi32, #tpu.memory_space<vmem>>
          %dma_wait3A_368 = arith.constant 0 : i32
          %dma_wait3A_369 = arith.constant 0 : i32
          %dma_wait3A_370 = tpu.memref_slice %arg2[%select_n3A_294, %select_n3A_310, %dma_wait3A_368, %dma_wait3A_369] : memref<50x32x4x128xi32, #tpu.memory_space<hbm>> -> memref<1x1x4x128xi32, #tpu.memory_space<hbm>>
          %dma_wait3A_371 = tpu.memref_squeeze %dma_wait3A_370 : memref<1x1x4x128xi32, #tpu.memory_space<hbm>> -> memref<4x128xi32, #tpu.memory_space<hbm>>
          %dma_wait3A_372 = arith.constant 4 : i32
          %dma_wait3A_373 = arith.constant 0 : i32
          %dma_wait3A_374 = tpu.memref_slice %arg5[%dma_wait3A_372, %dma_wait3A_373] : memref<8x128xi32, #tpu.memory_space<vmem>> -> memref<4x128xi32, #tpu.memory_space<vmem>>
          %dma_wait3A_375 = arith.constant 0 : i32
          %dma_wait3A_376 = arith.constant 0 : i32
          %dma_wait3A_377 = tpu.memref_slice %arg2[%select_n3A_294, %select_n3A_310, %dma_wait3A_375, %dma_wait3A_376] : memref<50x32x4x128xi32, #tpu.memory_space<hbm>> -> memref<1x1x4x128xi32, #tpu.memory_space<hbm>>
          %dma_wait3A_378 = tpu.memref_squeeze %dma_wait3A_377 : memref<1x1x4x128xi32, #tpu.memory_space<hbm>> -> memref<4x128xi32, #tpu.memory_space<hbm>>
          tpu.wait_dma2 semaphore(%run_scoped3A : memref<!tpu.dma_semaphore, #tpu.memory_space<semaphore_mem>>) src(%dma_wait3A_378 : memref<4x128xi32, #tpu.memory_space<hbm>>) dst(%dma_wait3A_374 : memref<4x128xi32, #tpu.memory_space<vmem>>)
          tpu.yield
        }) : () -> ()
        %dma_start3A_311 = arith.constant 4 : i32
        %dma_start3A_312 = arith.constant 0 : i32
        %dma_start3A_313 = arith.constant 0 : i32
        %dma_start3A_314 = tpu.memref_slice %arg7[%dma_start3A_312, %dma_start3A_313] : memref<512x32xf32, #tpu.memory_space<vmem>> -> memref<128x32xf32, #tpu.memory_space<vmem>>
        %dma_start3A_315 = arith.constant 0 : i32
        %dma_start3A_316 = tpu.memref_slice %arg5[%dma_start3A_311, %dma_start3A_315] : memref<8x128xi32, #tpu.memory_space<vmem>> -> memref<1x128xi32, #tpu.memory_space<vmem>>
        %dma_start3A_317 = tpu.memref_squeeze %dma_start3A_316 : memref<1x128xi32, #tpu.memory_space<vmem>> -> memref<128xi32, #tpu.memory_space<vmem>>
        %dma_start3A_318 = arith.constant 0 : i32
        %dma_start3A_319 = arith.constant 0 : i32
        %dma_start3A_320 = tpu.memref_slice %arg3[%dma_start3A_318, %dma_start3A_319] : memref<1000000x32xf32, #tpu.memory_space<hbm>> -> memref<1000000x32xf32, #tpu.memory_space<hbm>>
        tpu.enqueue_indirect_dma source(%dma_start3A_320 : memref<1000000x32xf32, #tpu.memory_space<hbm>>) target(%dma_start3A_314 : memref<128x32xf32, #tpu.memory_space<vmem>>) offsets(%dma_start3A_317 : memref<128xi32, #tpu.memory_space<vmem>>) semaphore(%arg11 : memref<!tpu.dma_semaphore, #tpu.memory_space<semaphore_mem>>)
        %dma_start3A_321 = arith.constant 5 : i32
        %dma_start3A_322 = arith.constant 128 : i32
        %dma_start3A_323 = arith.constant 0 : i32
        %dma_start3A_324 = tpu.memref_slice %arg7[%dma_start3A_322, %dma_start3A_323] : memref<512x32xf32, #tpu.memory_space<vmem>> -> memref<128x32xf32, #tpu.memory_space<vmem>>
        %dma_start3A_325 = arith.constant 0 : i32
        %dma_start3A_326 = tpu.memref_slice %arg5[%dma_start3A_321, %dma_start3A_325] : memref<8x128xi32, #tpu.memory_space<vmem>> -> memref<1x128xi32, #tpu.memory_space<vmem>>
        %dma_start3A_327 = tpu.memref_squeeze %dma_start3A_326 : memref<1x128xi32, #tpu.memory_space<vmem>> -> memref<128xi32, #tpu.memory_space<vmem>>
        %dma_start3A_328 = arith.constant 0 : i32
        %dma_start3A_329 = arith.constant 0 : i32
        %dma_start3A_330 = tpu.memref_slice %arg3[%dma_start3A_328, %dma_start3A_329] : memref<1000000x32xf32, #tpu.memory_space<hbm>> -> memref<1000000x32xf32, #tpu.memory_space<hbm>>
        tpu.enqueue_indirect_dma source(%dma_start3A_330 : memref<1000000x32xf32, #tpu.memory_space<hbm>>) target(%dma_start3A_324 : memref<128x32xf32, #tpu.memory_space<vmem>>) offsets(%dma_start3A_327 : memref<128xi32, #tpu.memory_space<vmem>>) semaphore(%arg11 : memref<!tpu.dma_semaphore, #tpu.memory_space<semaphore_mem>>)
        %dma_start3A_331 = arith.constant 6 : i32
        %dma_start3A_332 = arith.constant 256 : i32
        %dma_start3A_333 = arith.constant 0 : i32
        %dma_start3A_334 = tpu.memref_slice %arg7[%dma_start3A_332, %dma_start3A_333] : memref<512x32xf32, #tpu.memory_space<vmem>> -> memref<128x32xf32, #tpu.memory_space<vmem>>
        %dma_start3A_335 = arith.constant 0 : i32
        %dma_start3A_336 = tpu.memref_slice %arg5[%dma_start3A_331, %dma_start3A_335] : memref<8x128xi32, #tpu.memory_space<vmem>> -> memref<1x128xi32, #tpu.memory_space<vmem>>
        %dma_start3A_337 = tpu.memref_squeeze %dma_start3A_336 : memref<1x128xi32, #tpu.memory_space<vmem>> -> memref<128xi32, #tpu.memory_space<vmem>>
        %dma_start3A_338 = arith.constant 0 : i32
        %dma_start3A_339 = arith.constant 0 : i32
        %dma_start3A_340 = tpu.memref_slice %arg3[%dma_start3A_338, %dma_start3A_339] : memref<1000000x32xf32, #tpu.memory_space<hbm>> -> memref<1000000x32xf32, #tpu.memory_space<hbm>>
        tpu.enqueue_indirect_dma source(%dma_start3A_340 : memref<1000000x32xf32, #tpu.memory_space<hbm>>) target(%dma_start3A_334 : memref<128x32xf32, #tpu.memory_space<vmem>>) offsets(%dma_start3A_337 : memref<128xi32, #tpu.memory_space<vmem>>) semaphore(%arg11 : memref<!tpu.dma_semaphore, #tpu.memory_space<semaphore_mem>>)
        %dma_start3A_341 = arith.constant 7 : i32
        %dma_start3A_342 = arith.constant 384 : i32
        %dma_start3A_343 = arith.constant 0 : i32
        %dma_start3A_344 = tpu.memref_slice %arg7[%dma_start3A_342, %dma_start3A_343] : memref<512x32xf32, #tpu.memory_space<vmem>> -> memref<128x32xf32, #tpu.memory_space<vmem>>
        %dma_start3A_345 = arith.constant 0 : i32
        %dma_start3A_346 = tpu.memref_slice %arg5[%dma_start3A_341, %dma_start3A_345] : memref<8x128xi32, #tpu.memory_space<vmem>> -> memref<1x128xi32, #tpu.memory_space<vmem>>
        %dma_start3A_347 = tpu.memref_squeeze %dma_start3A_346 : memref<1x128xi32, #tpu.memory_space<vmem>> -> memref<128xi32, #tpu.memory_space<vmem>>
        %dma_start3A_348 = arith.constant 0 : i32
        %dma_start3A_349 = arith.constant 0 : i32
        %dma_start3A_350 = tpu.memref_slice %arg3[%dma_start3A_348, %dma_start3A_349] : memref<1000000x32xf32, #tpu.memory_space<hbm>> -> memref<1000000x32xf32, #tpu.memory_space<hbm>>
        tpu.enqueue_indirect_dma source(%dma_start3A_350 : memref<1000000x32xf32, #tpu.memory_space<hbm>>) target(%dma_start3A_344 : memref<128x32xf32, #tpu.memory_space<vmem>>) offsets(%dma_start3A_347 : memref<128xi32, #tpu.memory_space<vmem>>) semaphore(%arg11 : memref<!tpu.dma_semaphore, #tpu.memory_space<semaphore_mem>>)
      } else {
      }
      %ge3A = arith.constant 2 : i32
      %ge3A_128 = arith.cmpi sge, %add3A_115, %ge3A : i32
      %convert_element_type3A_129 = arith.extui %ge3A_128 : i1 to i32
      %cond3A_130 = arith.constant 0 : i32
      %cond3A_131 = arith.cmpi ne, %convert_element_type3A_129, %cond3A_130 : i32
      scf.if %cond3A_131 {
        %dma_wait3A_269 = arith.constant 0 : i32
        %dma_wait3A_270 = arith.constant 0 : i32
        %dma_wait3A_271 = arith.constant 0 : i32
        %dma_wait3A_272 = tpu.memref_slice %arg8[%dma_wait3A_270, %dma_wait3A_271] : memref<32x513xf32, #tpu.memory_space<vmem>> -> memref<32x512xf32, #tpu.memory_space<vmem>>
        %dma_wait3A_273 = arith.constant 0 : i32
        %dma_wait3A_274 = arith.constant 0 : i32
        %dma_wait3A_275 = tpu.memref_slice %arg4[%dma_wait3A_269, %dma_wait3A_273, %dma_wait3A_274] : memref<50x32x16384xf32, #tpu.memory_space<hbm>> -> memref<1x32x512xf32, #tpu.memory_space<hbm>>
        %dma_wait3A_276 = tpu.memref_squeeze %dma_wait3A_275 : memref<1x32x512xf32, #tpu.memory_space<hbm>> -> memref<32x512xf32, #tpu.memory_space<hbm>>
        %dma_wait3A_277 = arith.constant 0 : i32
        %dma_wait3A_278 = arith.constant 0 : i32
        %dma_wait3A_279 = tpu.memref_slice %arg4[%dma_wait3A_269, %dma_wait3A_277, %dma_wait3A_278] : memref<50x32x16384xf32, #tpu.memory_space<hbm>> -> memref<1x32x512xf32, #tpu.memory_space<hbm>>
        %dma_wait3A_280 = tpu.memref_squeeze %dma_wait3A_279 : memref<1x32x512xf32, #tpu.memory_space<hbm>> -> memref<32x512xf32, #tpu.memory_space<hbm>>
        %dma_wait3A_281 = arith.constant 0 : i32
        %dma_wait3A_282 = arith.constant 0 : i32
        %dma_wait3A_283 = tpu.memref_slice %arg8[%dma_wait3A_281, %dma_wait3A_282] : memref<32x513xf32, #tpu.memory_space<vmem>> -> memref<32x512xf32, #tpu.memory_space<vmem>>
        tpu.wait_dma2 semaphore(%arg12 : memref<!tpu.dma_semaphore, #tpu.memory_space<semaphore_mem>>) src(%dma_wait3A_283 : memref<32x512xf32, #tpu.memory_space<vmem>>) dst(%dma_wait3A_280 : memref<32x512xf32, #tpu.memory_space<hbm>>)
      } else {
      }
      %parallel_loop3A = arith.constant 0 : i32
      %parallel_loop3A_132 = arith.constant 512 : i32
      %parallel_loop3A_133 = arith.constant 1 : i32
      scf.for %parallel_loop3A_269 = %parallel_loop3A to %parallel_loop3A_132 step %parallel_loop3A_133  : i32 {
        %parallel_loop3A_270 = vector.broadcast %parallel_loop3A_269 : i32 to vector<16xi32>
        %parallel_loop3A_271 = arith.index_cast %parallel_loop3A_269 : i32 to index
        %parallel_loop3A_272 = arith.constant 0 : index
        %parallel_loop3A_273 = tpu.vector_load %arg6[%parallel_loop3A_271, %parallel_loop3A_272] {strides = array<i32>} : memref<512x32xf32, #tpu.memory_space<vmem>>, vector<16xf32>,
        %parallel_loop3A_274 = arith.index_cast %parallel_loop3A_269 : i32 to index
        %parallel_loop3A_275 = arith.constant 16 : index
        %parallel_loop3A_276 = tpu.vector_load %arg6[%parallel_loop3A_274, %parallel_loop3A_275] {strides = array<i32>} : memref<512x32xf32, #tpu.memory_space<vmem>>, vector<16xf32>,
        tpu.vector_store_idx %arg8[%iota3A, %parallel_loop3A_270], %parallel_loop3A_273 : memref<32x513xf32, #tpu.memory_space<vmem>>[vector<16xi32>, vector<16xi32>], vector<16xf32>,
        tpu.vector_store_idx %arg8[%add3A_5, %parallel_loop3A_270], %parallel_loop3A_276 : memref<32x513xf32, #tpu.memory_space<vmem>>[vector<16xi32>, vector<16xi32>], vector<16xf32>,
      } {sc.loop_unroll_factor = 16 : i64, sc.parallel_access}
      %jit3A_134 = arith.constant 32 : i32
      %div3A_135 = arith.divsi %add3A_116, %jit3A_134 : i32
      %sign3A_136 = arith.constant 0 : i32
      %sign3A_137 = arith.cmpi sgt, %add3A_116, %sign3A_136 : i32
      %sign3A_138 = arith.extui %sign3A_137 : i1 to i32
      %sign3A_139 = arith.constant 0 : i32
      %sign3A_140 = arith.cmpi slt, %add3A_116, %sign3A_139 : i32
      %sign3A_141 = arith.extui %sign3A_140 : i1 to i32
      %sign3A_142 = arith.subi %sign3A_138, %sign3A_141 : i32
      %sign3A_143 = arith.constant 0 : i32
      %sign3A_144 = arith.cmpi sgt, %jit3A_134, %sign3A_143 : i32
      %sign3A_145 = arith.extui %sign3A_144 : i1 to i32
      %sign3A_146 = arith.constant 0 : i32
      %sign3A_147 = arith.cmpi slt, %jit3A_134, %sign3A_146 : i32
      %sign3A_148 = arith.extui %sign3A_147 : i1 to i32
      %sign3A_149 = arith.subi %sign3A_145, %sign3A_148 : i32
      %ne3A_150 = arith.cmpi ne, %sign3A_142, %sign3A_149 : i32
      %rem3A_151 = arith.remsi %add3A_116, %jit3A_134 : i32
      %ne3A_152 = arith.constant 0 : i32
      %ne3A_153 = arith.cmpi ne, %rem3A_151, %ne3A_152 : i32
      %and3A_154 = arith.andi %ne3A_150, %ne3A_153 : i1
      %sub3A_155 = arith.constant 1 : i32
      %sub3A_156 = arith.subi %div3A_135, %sub3A_155 : i32
      %select_n3A_157 = arith.select %and3A_154, %sub3A_156, %div3A_135 : i32
      %jit3A_158 = arith.constant 32 : i32
      %eq3A_159 = arith.constant 0 : i32
      %eq3A_160 = arith.cmpi eq, %jit3A_158, %eq3A_159 : i32
      %jit3A_161 = arith.constant 1 : i32
      %select_n3A_162 = arith.select %eq3A_160, %jit3A_161, %jit3A_158 : i32
      %rem3A_163 = arith.remsi %add3A_116, %select_n3A_162 : i32
      %ne3A_164 = arith.constant 0 : i32
      %ne3A_165 = arith.cmpi ne, %rem3A_163, %ne3A_164 : i32
      %lt3A_166 = arith.constant 0 : i32
      %lt3A_167 = arith.cmpi slt, %rem3A_163, %lt3A_166 : i32
      %lt3A_168 = arith.constant 0 : i32
      %lt3A_169 = arith.cmpi slt, %select_n3A_162, %lt3A_168 : i32
      %ne3A_170 = arith.xori %lt3A_167, %lt3A_169 : i1
      %and3A_171 = arith.andi %ne3A_170, %ne3A_165 : i1
      %add3A_172 = arith.addi %rem3A_163, %select_n3A_162 : i32
      %select_n3A_173 = arith.select %and3A_171, %add3A_172, %rem3A_163 : i32
      %mul3A_174 = arith.constant 512 : i32
      %mul3A_175 = arith.muli %select_n3A_173, %mul3A_174 : i32
      %dma_start3A_176 = arith.constant 0 : i32
      %dma_start3A_177 = arith.constant 0 : i32
      %dma_start3A_178 = tpu.memref_slice %arg8[%dma_start3A_176, %dma_start3A_177] : memref<32x513xf32, #tpu.memory_space<vmem>> -> memref<32x512xf32, #tpu.memory_space<vmem>>
      %dma_start3A_179 = arith.constant 0 : i32
      %dma_start3A_180 = tpu.memref_slice %arg4[%select_n3A_157, %dma_start3A_179, %mul3A_175] : memref<50x32x16384xf32, #tpu.memory_space<hbm>> -> memref<1x32x512xf32, #tpu.memory_space<hbm>>
      %dma_start3A_181 = tpu.memref_squeeze %dma_start3A_180 : memref<1x32x512xf32, #tpu.memory_space<hbm>> -> memref<32x512xf32, #tpu.memory_space<hbm>>
      %dma_start3A_182 = arith.constant 0 : i32
      %dma_start3A_183 = tpu.memref_slice %arg4[%select_n3A_157, %dma_start3A_182, %mul3A_175] : memref<50x32x16384xf32, #tpu.memory_space<hbm>> -> memref<1x32x512xf32, #tpu.memory_space<hbm>>
      %dma_start3A_184 = tpu.memref_squeeze %dma_start3A_183 : memref<1x32x512xf32, #tpu.memory_space<hbm>> -> memref<32x512xf32, #tpu.memory_space<hbm>>
      %dma_start3A_185 = arith.constant 0 : i32
      %dma_start3A_186 = arith.constant 0 : i32
      %dma_start3A_187 = tpu.memref_slice %arg8[%dma_start3A_185, %dma_start3A_186] : memref<32x513xf32, #tpu.memory_space<vmem>> -> memref<32x512xf32, #tpu.memory_space<vmem>>
      tpu.enqueue_dma source(%dma_start3A_187 : memref<32x512xf32, #tpu.memory_space<vmem>>) target(%dma_start3A_184 : memref<32x512xf32, #tpu.memory_space<hbm>>) target_semaphore(%arg12 : memref<!tpu.dma_semaphore, #tpu.memory_space<semaphore_mem>>)
      %mul3A_188 = arith.constant 2 : i32
      %mul3A_189 = arith.muli %mul3A_188, %scan3A_110 : i32
      %add3A_190 = arith.constant 1 : i32
      %add3A_191 = arith.addi %mul3A_189, %add3A_190 : i32
      %add3A_192 = arith.addi %mul3A_2, %add3A_191 : i32
      %dma_wait3A_193 = arith.constant 0 : i32
      %dma_wait3A_194 = arith.constant 0 : i32
      %dma_wait3A_195 = tpu.memref_slice %arg3[%dma_wait3A_193, %dma_wait3A_194] : memref<1000000x32xf32, #tpu.memory_space<hbm>> -> memref<512x32xf32, #tpu.memory_space<hbm>>
      %dma_wait3A_196 = arith.constant 0 : i32
      %dma_wait3A_197 = arith.constant 0 : i32
      %dma_wait3A_198 = tpu.memref_slice %arg3[%dma_wait3A_196, %dma_wait3A_197] : memref<1000000x32xf32, #tpu.memory_space<hbm>> -> memref<512x32xf32, #tpu.memory_space<hbm>>
      tpu.wait_dma2 semaphore(%arg11 : memref<!tpu.dma_semaphore, #tpu.memory_space<semaphore_mem>>) src(%dma_wait3A_198 : memref<512x32xf32, #tpu.memory_space<hbm>>) dst(%arg7 : memref<512x32xf32, #tpu.memory_space<vmem>>)
      %add3A_199 = arith.constant 1 : i32
      %add3A_200 = arith.addi %add3A_191, %add3A_199 : i32
      %lt3A_201 = arith.constant 50 : i32
      %lt3A_202 = arith.cmpi slt, %add3A_200, %lt3A_201 : i32
      %convert_element_type3A_203 = arith.extui %lt3A_202 : i1 to i32
      %cond3A_204 = arith.constant 0 : i32
      %cond3A_205 = arith.cmpi ne, %convert_element_type3A_203, %cond3A_204 : i32
      scf.if %cond3A_205 {
        %add3A_269 = arith.constant 1 : i32
        %add3A_270 = arith.addi %add3A_192, %add3A_269 : i32
        %jit3A_271 = arith.constant 32 : i32
        %div3A_272 = arith.divsi %add3A_270, %jit3A_271 : i32
        %sign3A_273 = arith.constant 0 : i32
        %sign3A_274 = arith.cmpi sgt, %add3A_270, %sign3A_273 : i32
        %sign3A_275 = arith.extui %sign3A_274 : i1 to i32
        %sign3A_276 = arith.constant 0 : i32
        %sign3A_277 = arith.cmpi slt, %add3A_270, %sign3A_276 : i32
        %sign3A_278 = arith.extui %sign3A_277 : i1 to i32
        %sign3A_279 = arith.subi %sign3A_275, %sign3A_278 : i32
        %sign3A_280 = arith.constant 0 : i32
        %sign3A_281 = arith.cmpi sgt, %jit3A_271, %sign3A_280 : i32
        %sign3A_282 = arith.extui %sign3A_281 : i1 to i32
        %sign3A_283 = arith.constant 0 : i32
        %sign3A_284 = arith.cmpi slt, %jit3A_271, %sign3A_283 : i32
        %sign3A_285 = arith.extui %sign3A_284 : i1 to i32
        %sign3A_286 = arith.subi %sign3A_282, %sign3A_285 : i32
        %ne3A_287 = arith.cmpi ne, %sign3A_279, %sign3A_286 : i32
        %rem3A_288 = arith.remsi %add3A_270, %jit3A_271 : i32
        %ne3A_289 = arith.constant 0 : i32
        %ne3A_290 = arith.cmpi ne, %rem3A_288, %ne3A_289 : i32
        %and3A_291 = arith.andi %ne3A_287, %ne3A_290 : i1
        %sub3A_292 = arith.constant 1 : i32
        %sub3A_293 = arith.subi %div3A_272, %sub3A_292 : i32
        %select_n3A_294 = arith.select %and3A_291, %sub3A_293, %div3A_272 : i32
        %jit3A_295 = arith.constant 32 : i32
        %eq3A_296 = arith.constant 0 : i32
        %eq3A_297 = arith.cmpi eq, %jit3A_295, %eq3A_296 : i32
        %jit3A_298 = arith.constant 1 : i32
        %select_n3A_299 = arith.select %eq3A_297, %jit3A_298, %jit3A_295 : i32
        %rem3A_300 = arith.remsi %add3A_270, %select_n3A_299 : i32
        %ne3A_301 = arith.constant 0 : i32
        %ne3A_302 = arith.cmpi ne, %rem3A_300, %ne3A_301 : i32
        %lt3A_303 = arith.constant 0 : i32
        %lt3A_304 = arith.cmpi slt, %rem3A_300, %lt3A_303 : i32
        %lt3A_305 = arith.constant 0 : i32
        %lt3A_306 = arith.cmpi slt, %select_n3A_299, %lt3A_305 : i32
        %ne3A_307 = arith.xori %lt3A_304, %lt3A_306 : i1
        %and3A_308 = arith.andi %ne3A_307, %ne3A_302 : i1
        %add3A_309 = arith.addi %rem3A_300, %select_n3A_299 : i32
        %select_n3A_310 = arith.select %and3A_308, %add3A_309, %rem3A_300 : i32
        "tpu.region"() ({
          %run_scoped3A = tpu.sem_alloc : memref<!tpu.dma_semaphore, #tpu.memory_space<semaphore_mem>>
          %dma_start3A_351 = arith.constant 0 : i32
          %dma_start3A_352 = arith.constant 0 : i32
          %dma_start3A_353 = tpu.memref_slice %arg5[%dma_start3A_351, %dma_start3A_352] : memref<8x128xi32, #tpu.memory_space<vmem>> -> memref<4x128xi32, #tpu.memory_space<vmem>>
          %dma_start3A_354 = arith.constant 0 : i32
          %dma_start3A_355 = arith.constant 0 : i32
          %dma_start3A_356 = tpu.memref_slice %arg2[%select_n3A_294, %select_n3A_310, %dma_start3A_354, %dma_start3A_355] : memref<50x32x4x128xi32, #tpu.memory_space<hbm>> -> memref<1x1x4x128xi32, #tpu.memory_space<hbm>>
          %dma_start3A_357 = tpu.memref_squeeze %dma_start3A_356 : memref<1x1x4x128xi32, #tpu.memory_space<hbm>> -> memref<4x128xi32, #tpu.memory_space<hbm>>
          %dma_start3A_358 = arith.constant 0 : i32
          %dma_start3A_359 = arith.constant 0 : i32
          %dma_start3A_360 = tpu.memref_slice %arg5[%dma_start3A_358, %dma_start3A_359] : memref<8x128xi32, #tpu.memory_space<vmem>> -> memref<4x128xi32, #tpu.memory_space<vmem>>
          %dma_start3A_361 = arith.constant 0 : i32
          %dma_start3A_362 = arith.constant 0 : i32
          %dma_start3A_363 = tpu.memref_slice %arg2[%select_n3A_294, %select_n3A_310, %dma_start3A_361, %dma_start3A_362] : memref<50x32x4x128xi32, #tpu.memory_space<hbm>> -> memref<1x1x4x128xi32, #tpu.memory_space<hbm>>
          %dma_start3A_364 = tpu.memref_squeeze %dma_start3A_363 : memref<1x1x4x128xi32, #tpu.memory_space<hbm>> -> memref<4x128xi32, #tpu.memory_space<hbm>>
          tpu.enqueue_dma source(%dma_start3A_364 : memref<4x128xi32, #tpu.memory_space<hbm>>) target(%dma_start3A_360 : memref<4x128xi32, #tpu.memory_space<vmem>>) target_semaphore(%run_scoped3A : memref<!tpu.dma_semaphore, #tpu.memory_space<semaphore_mem>>)
          %dma_wait3A_365 = arith.constant 0 : i32
          %dma_wait3A_366 = arith.constant 0 : i32
          %dma_wait3A_367 = tpu.memref_slice %arg5[%dma_wait3A_365, %dma_wait3A_366] : memref<8x128xi32, #tpu.memory_space<vmem>> -> memref<4x128xi32, #tpu.memory_space<vmem>>
          %dma_wait3A_368 = arith.constant 0 : i32
          %dma_wait3A_369 = arith.constant 0 : i32
          %dma_wait3A_370 = tpu.memref_slice %arg2[%select_n3A_294, %select_n3A_310, %dma_wait3A_368, %dma_wait3A_369] : memref<50x32x4x128xi32, #tpu.memory_space<hbm>> -> memref<1x1x4x128xi32, #tpu.memory_space<hbm>>
          %dma_wait3A_371 = tpu.memref_squeeze %dma_wait3A_370 : memref<1x1x4x128xi32, #tpu.memory_space<hbm>> -> memref<4x128xi32, #tpu.memory_space<hbm>>
          %dma_wait3A_372 = arith.constant 0 : i32
          %dma_wait3A_373 = arith.constant 0 : i32
          %dma_wait3A_374 = tpu.memref_slice %arg5[%dma_wait3A_372, %dma_wait3A_373] : memref<8x128xi32, #tpu.memory_space<vmem>> -> memref<4x128xi32, #tpu.memory_space<vmem>>
          %dma_wait3A_375 = arith.constant 0 : i32
          %dma_wait3A_376 = arith.constant 0 : i32
          %dma_wait3A_377 = tpu.memref_slice %arg2[%select_n3A_294, %select_n3A_310, %dma_wait3A_375, %dma_wait3A_376] : memref<50x32x4x128xi32, #tpu.memory_space<hbm>> -> memref<1x1x4x128xi32, #tpu.memory_space<hbm>>
          %dma_wait3A_378 = tpu.memref_squeeze %dma_wait3A_377 : memref<1x1x4x128xi32, #tpu.memory_space<hbm>> -> memref<4x128xi32, #tpu.memory_space<hbm>>
          tpu.wait_dma2 semaphore(%run_scoped3A : memref<!tpu.dma_semaphore, #tpu.memory_space<semaphore_mem>>) src(%dma_wait3A_378 : memref<4x128xi32, #tpu.memory_space<hbm>>) dst(%dma_wait3A_374 : memref<4x128xi32, #tpu.memory_space<vmem>>)
          tpu.yield
        }) : () -> ()
        %dma_start3A_311 = arith.constant 0 : i32
        %dma_start3A_312 = arith.constant 0 : i32
        %dma_start3A_313 = arith.constant 0 : i32
        %dma_start3A_314 = tpu.memref_slice %arg6[%dma_start3A_312, %dma_start3A_313] : memref<512x32xf32, #tpu.memory_space<vmem>> -> memref<128x32xf32, #tpu.memory_space<vmem>>
        %dma_start3A_315 = arith.constant 0 : i32
        %dma_start3A_316 = tpu.memref_slice %arg5[%dma_start3A_311, %dma_start3A_315] : memref<8x128xi32, #tpu.memory_space<vmem>> -> memref<1x128xi32, #tpu.memory_space<vmem>>
        %dma_start3A_317 = tpu.memref_squeeze %dma_start3A_316 : memref<1x128xi32, #tpu.memory_space<vmem>> -> memref<128xi32, #tpu.memory_space<vmem>>
        %dma_start3A_318 = arith.constant 0 : i32
        %dma_start3A_319 = arith.constant 0 : i32
        %dma_start3A_320 = tpu.memref_slice %arg3[%dma_start3A_318, %dma_start3A_319] : memref<1000000x32xf32, #tpu.memory_space<hbm>> -> memref<1000000x32xf32, #tpu.memory_space<hbm>>
        tpu.enqueue_indirect_dma source(%dma_start3A_320 : memref<1000000x32xf32, #tpu.memory_space<hbm>>) target(%dma_start3A_314 : memref<128x32xf32, #tpu.memory_space<vmem>>) offsets(%dma_start3A_317 : memref<128xi32, #tpu.memory_space<vmem>>) semaphore(%arg10 : memref<!tpu.dma_semaphore, #tpu.memory_space<semaphore_mem>>)
        %dma_start3A_321 = arith.constant 1 : i32
        %dma_start3A_322 = arith.constant 128 : i32
        %dma_start3A_323 = arith.constant 0 : i32
        %dma_start3A_324 = tpu.memref_slice %arg6[%dma_start3A_322, %dma_start3A_323] : memref<512x32xf32, #tpu.memory_space<vmem>> -> memref<128x32xf32, #tpu.memory_space<vmem>>
        %dma_start3A_325 = arith.constant 0 : i32
        %dma_start3A_326 = tpu.memref_slice %arg5[%dma_start3A_321, %dma_start3A_325] : memref<8x128xi32, #tpu.memory_space<vmem>> -> memref<1x128xi32, #tpu.memory_space<vmem>>
        %dma_start3A_327 = tpu.memref_squeeze %dma_start3A_326 : memref<1x128xi32, #tpu.memory_space<vmem>> -> memref<128xi32, #tpu.memory_space<vmem>>
        %dma_start3A_328 = arith.constant 0 : i32
        %dma_start3A_329 = arith.constant 0 : i32
        %dma_start3A_330 = tpu.memref_slice %arg3[%dma_start3A_328, %dma_start3A_329] : memref<1000000x32xf32, #tpu.memory_space<hbm>> -> memref<1000000x32xf32, #tpu.memory_space<hbm>>
        tpu.enqueue_indirect_dma source(%dma_start3A_330 : memref<1000000x32xf32, #tpu.memory_space<hbm>>) target(%dma_start3A_324 : memref<128x32xf32, #tpu.memory_space<vmem>>) offsets(%dma_start3A_327 : memref<128xi32, #tpu.memory_space<vmem>>) semaphore(%arg10 : memref<!tpu.dma_semaphore, #tpu.memory_space<semaphore_mem>>)
        %dma_start3A_331 = arith.constant 2 : i32
        %dma_start3A_332 = arith.constant 256 : i32
        %dma_start3A_333 = arith.constant 0 : i32
        %dma_start3A_334 = tpu.memref_slice %arg6[%dma_start3A_332, %dma_start3A_333] : memref<512x32xf32, #tpu.memory_space<vmem>> -> memref<128x32xf32, #tpu.memory_space<vmem>>
        %dma_start3A_335 = arith.constant 0 : i32
        %dma_start3A_336 = tpu.memref_slice %arg5[%dma_start3A_331, %dma_start3A_335] : memref<8x128xi32, #tpu.memory_space<vmem>> -> memref<1x128xi32, #tpu.memory_space<vmem>>
        %dma_start3A_337 = tpu.memref_squeeze %dma_start3A_336 : memref<1x128xi32, #tpu.memory_space<vmem>> -> memref<128xi32, #tpu.memory_space<vmem>>
        %dma_start3A_338 = arith.constant 0 : i32
        %dma_start3A_339 = arith.constant 0 : i32
        %dma_start3A_340 = tpu.memref_slice %arg3[%dma_start3A_338, %dma_start3A_339] : memref<1000000x32xf32, #tpu.memory_space<hbm>> -> memref<1000000x32xf32, #tpu.memory_space<hbm>>
        tpu.enqueue_indirect_dma source(%dma_start3A_340 : memref<1000000x32xf32, #tpu.memory_space<hbm>>) target(%dma_start3A_334 : memref<128x32xf32, #tpu.memory_space<vmem>>) offsets(%dma_start3A_337 : memref<128xi32, #tpu.memory_space<vmem>>) semaphore(%arg10 : memref<!tpu.dma_semaphore, #tpu.memory_space<semaphore_mem>>)
        %dma_start3A_341 = arith.constant 3 : i32
        %dma_start3A_342 = arith.constant 384 : i32
        %dma_start3A_343 = arith.constant 0 : i32
        %dma_start3A_344 = tpu.memref_slice %arg6[%dma_start3A_342, %dma_start3A_343] : memref<512x32xf32, #tpu.memory_space<vmem>> -> memref<128x32xf32, #tpu.memory_space<vmem>>
        %dma_start3A_345 = arith.constant 0 : i32
        %dma_start3A_346 = tpu.memref_slice %arg5[%dma_start3A_341, %dma_start3A_345] : memref<8x128xi32, #tpu.memory_space<vmem>> -> memref<1x128xi32, #tpu.memory_space<vmem>>
        %dma_start3A_347 = tpu.memref_squeeze %dma_start3A_346 : memref<1x128xi32, #tpu.memory_space<vmem>> -> memref<128xi32, #tpu.memory_space<vmem>>
        %dma_start3A_348 = arith.constant 0 : i32
        %dma_start3A_349 = arith.constant 0 : i32
        %dma_start3A_350 = tpu.memref_slice %arg3[%dma_start3A_348, %dma_start3A_349] : memref<1000000x32xf32, #tpu.memory_space<hbm>> -> memref<1000000x32xf32, #tpu.memory_space<hbm>>
        tpu.enqueue_indirect_dma source(%dma_start3A_350 : memref<1000000x32xf32, #tpu.memory_space<hbm>>) target(%dma_start3A_344 : memref<128x32xf32, #tpu.memory_space<vmem>>) offsets(%dma_start3A_347 : memref<128xi32, #tpu.memory_space<vmem>>) semaphore(%arg10 : memref<!tpu.dma_semaphore, #tpu.memory_space<semaphore_mem>>)
      } else {
      }
      %ge3A_206 = arith.constant 2 : i32
      %ge3A_207 = arith.cmpi sge, %add3A_191, %ge3A_206 : i32
      %convert_element_type3A_208 = arith.extui %ge3A_207 : i1 to i32
      %cond3A_209 = arith.constant 0 : i32
      %cond3A_210 = arith.cmpi ne, %convert_element_type3A_208, %cond3A_209 : i32
      scf.if %cond3A_210 {
        %dma_wait3A_269 = arith.constant 0 : i32
        %dma_wait3A_270 = arith.constant 0 : i32
        %dma_wait3A_271 = arith.constant 0 : i32
        %dma_wait3A_272 = tpu.memref_slice %arg9[%dma_wait3A_270, %dma_wait3A_271] : memref<32x513xf32, #tpu.memory_space<vmem>> -> memref<32x512xf32, #tpu.memory_space<vmem>>
        %dma_wait3A_273 = arith.constant 0 : i32
        %dma_wait3A_274 = arith.constant 0 : i32
        %dma_wait3A_275 = tpu.memref_slice %arg4[%dma_wait3A_269, %dma_wait3A_273, %dma_wait3A_274] : memref<50x32x16384xf32, #tpu.memory_space<hbm>> -> memref<1x32x512xf32, #tpu.memory_space<hbm>>
        %dma_wait3A_276 = tpu.memref_squeeze %dma_wait3A_275 : memref<1x32x512xf32, #tpu.memory_space<hbm>> -> memref<32x512xf32, #tpu.memory_space<hbm>>
        %dma_wait3A_277 = arith.constant 0 : i32
        %dma_wait3A_278 = arith.constant 0 : i32
        %dma_wait3A_279 = tpu.memref_slice %arg4[%dma_wait3A_269, %dma_wait3A_277, %dma_wait3A_278] : memref<50x32x16384xf32, #tpu.memory_space<hbm>> -> memref<1x32x512xf32, #tpu.memory_space<hbm>>
        %dma_wait3A_280 = tpu.memref_squeeze %dma_wait3A_279 : memref<1x32x512xf32, #tpu.memory_space<hbm>> -> memref<32x512xf32, #tpu.memory_space<hbm>>
        %dma_wait3A_281 = arith.constant 0 : i32
        %dma_wait3A_282 = arith.constant 0 : i32
        %dma_wait3A_283 = tpu.memref_slice %arg9[%dma_wait3A_281, %dma_wait3A_282] : memref<32x513xf32, #tpu.memory_space<vmem>> -> memref<32x512xf32, #tpu.memory_space<vmem>>
        tpu.wait_dma2 semaphore(%arg13 : memref<!tpu.dma_semaphore, #tpu.memory_space<semaphore_mem>>) src(%dma_wait3A_283 : memref<32x512xf32, #tpu.memory_space<vmem>>) dst(%dma_wait3A_280 : memref<32x512xf32, #tpu.memory_space<hbm>>)
      } else {
      }
      %parallel_loop3A_211 = arith.constant 0 : i32
      %parallel_loop3A_212 = arith.constant 512 : i32
      %parallel_loop3A_213 = arith.constant 1 : i32
      scf.for %parallel_loop3A_269 = %parallel_loop3A_211 to %parallel_loop3A_212 step %parallel_loop3A_213  : i32 {
        %parallel_loop3A_270 = vector.broadcast %parallel_loop3A_269 : i32 to vector<16xi32>
        %parallel_loop3A_271 = arith.index_cast %parallel_loop3A_269 : i32 to index
        %parallel_loop3A_272 = arith.constant 0 : index
        %parallel_loop3A_273 = tpu.vector_load %arg7[%parallel_loop3A_271, %parallel_loop3A_272] {strides = array<i32>} : memref<512x32xf32, #tpu.memory_space<vmem>>, vector<16xf32>,
        %parallel_loop3A_274 = arith.index_cast %parallel_loop3A_269 : i32 to index
        %parallel_loop3A_275 = arith.constant 16 : index
        %parallel_loop3A_276 = tpu.vector_load %arg7[%parallel_loop3A_274, %parallel_loop3A_275] {strides = array<i32>} : memref<512x32xf32, #tpu.memory_space<vmem>>, vector<16xf32>,
        tpu.vector_store_idx %arg9[%iota3A, %parallel_loop3A_270], %parallel_loop3A_273 : memref<32x513xf32, #tpu.memory_space<vmem>>[vector<16xi32>, vector<16xi32>], vector<16xf32>,
        tpu.vector_store_idx %arg9[%add3A_5, %parallel_loop3A_270], %parallel_loop3A_276 : memref<32x513xf32, #tpu.memory_space<vmem>>[vector<16xi32>, vector<16xi32>], vector<16xf32>,
      } {sc.loop_unroll_factor = 16 : i64, sc.parallel_access}
      %jit3A_214 = arith.constant 32 : i32
      %div3A_215 = arith.divsi %add3A_192, %jit3A_214 : i32
      %sign3A_216 = arith.constant 0 : i32
      %sign3A_217 = arith.cmpi sgt, %add3A_192, %sign3A_216 : i32
      %sign3A_218 = arith.extui %sign3A_217 : i1 to i32
      %sign3A_219 = arith.constant 0 : i32
      %sign3A_220 = arith.cmpi slt, %add3A_192, %sign3A_219 : i32
      %sign3A_221 = arith.extui %sign3A_220 : i1 to i32
      %sign3A_222 = arith.subi %sign3A_218, %sign3A_221 : i32
      %sign3A_223 = arith.constant 0 : i32
      %sign3A_224 = arith.cmpi sgt, %jit3A_214, %sign3A_223 : i32
      %sign3A_225 = arith.extui %sign3A_224 : i1 to i32
      %sign3A_226 = arith.constant 0 : i32
      %sign3A_227 = arith.cmpi slt, %jit3A_214, %sign3A_226 : i32
      %sign3A_228 = arith.extui %sign3A_227 : i1 to i32
      %sign3A_229 = arith.subi %sign3A_225, %sign3A_228 : i32
      %ne3A_230 = arith.cmpi ne, %sign3A_222, %sign3A_229 : i32
      %rem3A_231 = arith.remsi %add3A_192, %jit3A_214 : i32
      %ne3A_232 = arith.constant 0 : i32
      %ne3A_233 = arith.cmpi ne, %rem3A_231, %ne3A_232 : i32
      %and3A_234 = arith.andi %ne3A_230, %ne3A_233 : i1
      %sub3A_235 = arith.constant 1 : i32
      %sub3A_236 = arith.subi %div3A_215, %sub3A_235 : i32
      %select_n3A_237 = arith.select %and3A_234, %sub3A_236, %div3A_215 : i32
      %jit3A_238 = arith.constant 32 : i32
      %eq3A_239 = arith.constant 0 : i32
      %eq3A_240 = arith.cmpi eq, %jit3A_238, %eq3A_239 : i32
      %jit3A_241 = arith.constant 1 : i32
      %select_n3A_242 = arith.select %eq3A_240, %jit3A_241, %jit3A_238 : i32
      %rem3A_243 = arith.remsi %add3A_192, %select_n3A_242 : i32
      %ne3A_244 = arith.constant 0 : i32
      %ne3A_245 = arith.cmpi ne, %rem3A_243, %ne3A_244 : i32
      %lt3A_246 = arith.constant 0 : i32
      %lt3A_247 = arith.cmpi slt, %rem3A_243, %lt3A_246 : i32
      %lt3A_248 = arith.constant 0 : i32
      %lt3A_249 = arith.cmpi slt, %select_n3A_242, %lt3A_248 : i32
      %ne3A_250 = arith.xori %lt3A_247, %lt3A_249 : i1
      %and3A_251 = arith.andi %ne3A_250, %ne3A_245 : i1
      %add3A_252 = arith.addi %rem3A_243, %select_n3A_242 : i32
      %select_n3A_253 = arith.select %and3A_251, %add3A_252, %rem3A_243 : i32
      %mul3A_254 = arith.constant 512 : i32
      %mul3A_255 = arith.muli %select_n3A_253, %mul3A_254 : i32
      %dma_start3A_256 = arith.constant 0 : i32
      %dma_start3A_257 = arith.constant 0 : i32
      %dma_start3A_258 = tpu.memref_slice %arg9[%dma_start3A_256, %dma_start3A_257] : memref<32x513xf32, #tpu.memory_space<vmem>> -> memref<32x512xf32, #tpu.memory_space<vmem>>
      %dma_start3A_259 = arith.constant 0 : i32
      %dma_start3A_260 = tpu.memref_slice %arg4[%select_n3A_237, %dma_start3A_259, %mul3A_255] : memref<50x32x16384xf32, #tpu.memory_space<hbm>> -> memref<1x32x512xf32, #tpu.memory_space<hbm>>
      %dma_start3A_261 = tpu.memref_squeeze %dma_start3A_260 : memref<1x32x512xf32, #tpu.memory_space<hbm>> -> memref<32x512xf32, #tpu.memory_space<hbm>>
      %dma_start3A_262 = arith.constant 0 : i32
      %dma_start3A_263 = tpu.memref_slice %arg4[%select_n3A_237, %dma_start3A_262, %mul3A_255] : memref<50x32x16384xf32, #tpu.memory_space<hbm>> -> memref<1x32x512xf32, #tpu.memory_space<hbm>>
      %dma_start3A_264 = tpu.memref_squeeze %dma_start3A_263 : memref<1x32x512xf32, #tpu.memory_space<hbm>> -> memref<32x512xf32, #tpu.memory_space<hbm>>
      %dma_start3A_265 = arith.constant 0 : i32
      %dma_start3A_266 = arith.constant 0 : i32
      %dma_start3A_267 = tpu.memref_slice %arg9[%dma_start3A_265, %dma_start3A_266] : memref<32x513xf32, #tpu.memory_space<vmem>> -> memref<32x512xf32, #tpu.memory_space<vmem>>
      tpu.enqueue_dma source(%dma_start3A_267 : memref<32x512xf32, #tpu.memory_space<vmem>>) target(%dma_start3A_264 : memref<32x512xf32, #tpu.memory_space<hbm>>) target_semaphore(%arg13 : memref<!tpu.dma_semaphore, #tpu.memory_space<semaphore_mem>>)
      %scan3A_268 = arith.constant 0 : i32
      scf.yield %scan3A_268 : i32
    }
    %scan3A_80 = arith.constant 25 : i32
    %dma_wait3A = arith.constant 0 : i32
    %dma_wait3A_81 = arith.constant 0 : i32
    %dma_wait3A_82 = arith.constant 0 : i32
    %dma_wait3A_83 = tpu.memref_slice %arg8[%dma_wait3A_81, %dma_wait3A_82] : memref<32x513xf32, #tpu.memory_space<vmem>> -> memref<32x512xf32, #tpu.memory_space<vmem>>
    %dma_wait3A_84 = arith.constant 0 : i32
    %dma_wait3A_85 = arith.constant 0 : i32
    %dma_wait3A_86 = tpu.memref_slice %arg4[%dma_wait3A, %dma_wait3A_84, %dma_wait3A_85] : memref<50x32x16384xf32, #tpu.memory_space<hbm>> -> memref<1x32x512xf32, #tpu.memory_space<hbm>>
    %dma_wait3A_87 = tpu.memref_squeeze %dma_wait3A_86 : memref<1x32x512xf32, #tpu.memory_space<hbm>> -> memref<32x512xf32, #tpu.memory_space<hbm>>
    %dma_wait3A_88 = arith.constant 0 : i32
    %dma_wait3A_89 = arith.constant 0 : i32
    %dma_wait3A_90 = tpu.memref_slice %arg4[%dma_wait3A, %dma_wait3A_88, %dma_wait3A_89] : memref<50x32x16384xf32, #tpu.memory_space<hbm>> -> memref<1x32x512xf32, #tpu.memory_space<hbm>>
    %dma_wait3A_91 = tpu.memref_squeeze %dma_wait3A_90 : memref<1x32x512xf32, #tpu.memory_space<hbm>> -> memref<32x512xf32, #tpu.memory_space<hbm>>
    %dma_wait3A_92 = arith.constant 0 : i32
    %dma_wait3A_93 = arith.constant 0 : i32
    %dma_wait3A_94 = tpu.memref_slice %arg8[%dma_wait3A_92, %dma_wait3A_93] : memref<32x513xf32, #tpu.memory_space<vmem>> -> memref<32x512xf32, #tpu.memory_space<vmem>>
    tpu.wait_dma2 semaphore(%arg12 : memref<!tpu.dma_semaphore, #tpu.memory_space<semaphore_mem>>) src(%dma_wait3A_94 : memref<32x512xf32, #tpu.memory_space<vmem>>) dst(%dma_wait3A_91 : memref<32x512xf32, #tpu.memory_space<hbm>>)
    %dma_wait3A_95 = arith.constant 0 : i32
    %dma_wait3A_96 = arith.constant 0 : i32
    %dma_wait3A_97 = arith.constant 0 : i32
    %dma_wait3A_98 = tpu.memref_slice %arg9[%dma_wait3A_96, %dma_wait3A_97] : memref<32x513xf32, #tpu.memory_space<vmem>> -> memref<32x512xf32, #tpu.memory_space<vmem>>
    %dma_wait3A_99 = arith.constant 0 : i32
    %dma_wait3A_100 = arith.constant 0 : i32
    %dma_wait3A_101 = tpu.memref_slice %arg4[%dma_wait3A_95, %dma_wait3A_99, %dma_wait3A_100] : memref<50x32x16384xf32, #tpu.memory_space<hbm>> -> memref<1x32x512xf32, #tpu.memory_space<hbm>>
    %dma_wait3A_102 = tpu.memref_squeeze %dma_wait3A_101 : memref<1x32x512xf32, #tpu.memory_space<hbm>> -> memref<32x512xf32, #tpu.memory_space<hbm>>
    %dma_wait3A_103 = arith.constant 0 : i32
    %dma_wait3A_104 = arith.constant 0 : i32
    %dma_wait3A_105 = tpu.memref_slice %arg4[%dma_wait3A_95, %dma_wait3A_103, %dma_wait3A_104] : memref<50x32x16384xf32, #tpu.memory_space<hbm>> -> memref<1x32x512xf32, #tpu.memory_space<hbm>>
    %dma_wait3A_106 = tpu.memref_squeeze %dma_wait3A_105 : memref<1x32x512xf32, #tpu.memory_space<hbm>> -> memref<32x512xf32, #tpu.memory_space<hbm>>
    %dma_wait3A_107 = arith.constant 0 : i32
    %dma_wait3A_108 = arith.constant 0 : i32
    %dma_wait3A_109 = tpu.memref_slice %arg9[%dma_wait3A_107, %dma_wait3A_108] : memref<32x513xf32, #tpu.memory_space<vmem>> -> memref<32x512xf32, #tpu.memory_space<vmem>>
    tpu.wait_dma2 semaphore(%arg13 : memref<!tpu.dma_semaphore, #tpu.memory_space<semaphore_mem>>) src(%dma_wait3A_109 : memref<32x512xf32, #tpu.memory_space<vmem>>) dst(%dma_wait3A_106 : memref<32x512xf32, #tpu.memory_space<hbm>>)
    return
  }
}

</mosaic_0001>

<sc_bundles>
// kernel: _embed_lookup.3.cloned.1.call-start
scs
__scs_entry_jumppad:
0x0: {  	(pc) =	sbr.rel $0x88, $3  }
0x1: {  	(tag) =	ssettag $0x0;
	lr =	simm.s32 $0x1  }
0x2: {  	[smem:$0x3F9F] =	sst lr;
	_ =	strace $0xD0000000  }
0x3: {  	_ = 	snop  }
0x4: {  	_ = 	snop  }
0x5: {  	_ = 	snop  }
0x6: {  	_ = 	snop  }
0x7: {  	_ = 	snop  }
__scs_overlays_trampoline_lowered:
0x8: {  	[smem:$0x3FAE] =	sst s0  }
0x9: {  	[smem:$0x3FAF] =	sst s1  }
0xa: {  	[smem:$0x3FB0] =	sst s2  }
0xb: {  	[smem:$0x3FB1] =	sst s3  }
0xc: {  	[smem:$0x3FB2] =	sst s4  }
0xd: {  	[smem:$0x3FB3] =	sst s5  }
0xe: {  	[smem:$0x3FB4] =	sst s6  }
0xf: {  	[smem:$0x3FB5] =	sst s7  }
0x10: {  	[smem:$0x3FB6] =	sst s8  }
0x11: {  	[smem:$0x3FB7] =	sst s9;
	s0 =	simm.s32 @!p0 $0x0  }
0x12: {  	s1 =	sld [smem:$0x3F9D];
	s0 =	simm.s32 @p0 $0x1  }
0x13: {  	[smem:$0x3FB8] =	sst s0;
	s0 =	simm.s32 @!p1 $0x0  }
0x14: {  	s2 =	sld [smem:$0x3F9C];
	s0 =	simm.s32 @p1 $0x1  }
0x15: {  	[smem:$0x3FB9] =	sst s0;
	s0 =	simm.s32 @!p2 $0x0  }
0x16: {  	s3 =	sld [smem:$0x3FDB];
	s0 =	simm.s32 @p2 $0x1  }
0x17: {  	s4 =	simm.s32 $0x1BF5;
	[smem:$0x3FBB] =	sst s0  }
0x18: {  	s0 =	sld [smem:$0x3F9E];
	_ =	swait.ge [sflag:s4], $0x0  }
0x19: {  	s7 =	sld [smem:$0x3F9F]  }
0x1a: {  	s8 =	sadd.s32 $0xFFFFE003, lr  }
0x1b: {  	s9 =	sadd.s32 $0xFFFFFEF7, lr;
	s5 =	simm.s32 $0xFFFFFFFF;
	p2 =	slt.u32 s8, $0xFFFFF086  }
0x1c: {  	p1 =	slt.u32 s9, $0xF7A;
	s5 =	simm.s32 @!p2 $0x0  }
0x1d: {  	s5 =	simm.s32 @p1 $0x1;
	p0 =	seq.s32 s7, s2  }
0x1e: {  	s7 =	smul.u32 @!p0 $0xF7A, s2;
	p2 =	seq.s32 @!p0 s5, $0x0  }
0x1f: {  	s9 =	smul.u32 $0xF7A, s1;
	s8 =	simm.s32 @!p0 $0x1BF5;
	p2 =	por !p2, p0  }
0x20: {  	[sflag:s8] =	ssyncset.s32 @!p0 $0xFFFFF086;
	s6 =	sadd.s32 @!p0 s3, s7;
	s7 =	simm.s32 @!p0 $0x108  }
0x21: {  	s3 =	sadd.s32 s3, s9;
	s6 =	sadd.s32 @!p0 $0x88, s6;
	s7 =	simm.s32 @p2 $0x1082  }
0x22: {  	[simem:s7], [sflag:s8] =	dma.local @!p0 [hbm:s6], $0xF7A  }
0x23: {  	s9 =	sor.u32 $0xD0000000, s2;
	s6 =	simm.s32 $0x108;
	_ =	swait.ge @!p0 [sflag:s8], $0x0  }
0x24: {  	s3 =	sadd.s32 $0x88, s3;
	s6 =	simm.s32 @!p1 $0x1082;
	[sflag:s4] =	ssyncset.s32 $0xFFFFF086  }
0x25: {  	[simem:s6], [sflag:s4] =	dma.local [hbm:s3], $0xF7A  }
0x26: {  	[smem:$0x3F9F] =	sst s1;
	(tag) =	ssettag s2;
	_ =	strace s9  }
0x27: {  	s1 =	sld [smem:$0x3FAF]  }
0x28: {  	s2 =	sld [smem:$0x3FB0]  }
0x29: {  	s4 =	sld [smem:$0x3FB2]  }
0x2a: {  	p0 =	seq.s32 s5, $0x0;
	s5 =	sld [smem:$0x3FB3]  }
0x2b: {  	s6 =	sld [smem:$0x3FB4]  }
0x2c: {  	s7 =	sld [smem:$0x3FB5]  }
0x2d: {  	s3 =	simm.s32 $0x108;
	s8 =	sld [smem:$0x3FB6]  }
0x2e: {  	s3 =	simm.s32 @!p0 $0x1082;
	s9 =	sld [smem:$0x3FB7]  }
0x2f: {  	lr =	sadd.s32 s0, s3;
	s0 =	sld [smem:$0x3FAE]  }
0x30: {  	s3 =	sld [smem:$0x3FB1]  }
0x31: {  	[smem:$0x3FBA] =	sst s10  }
0x32: {  	s10 =	sld [smem:$0x3FB8];
	_ =	sdelay $0x3  }
0x33: {  	p0 =	seq.s32 s10, $0x1;
	s10 =	sld [smem:$0x3FBA];
	_ =	sdelay $0x3  }
0x34: {  	[smem:$0x3FBA] =	sst s10  }
0x35: {  	s10 =	sld [smem:$0x3FB9];
	_ =	sdelay $0x3  }
0x36: {  	p1 =	seq.s32 s10, $0x1;
	s10 =	sld [smem:$0x3FBA];
	_ =	sdelay $0x3  }
0x37: {  	[smem:$0x3FBA] =	sst s10  }
0x38: {  	s10 =	sld [smem:$0x3FBB]  }
0x39: {  	_ = 	snop;
	(pc) =	sbr.ind lr, $3  }
0x3a: {  	_ = 	snop  }
0x3b: {  	_ = 	snop  }
0x3c: {  	p2 =	seq.s32 s10, $0x1;
	s10 =	sld [smem:$0x3FBA]  }
0x3d: {  	_ =	shalt  }
0x3e: {  	_ =	shalt  }
0x3f: {  	_ =	shalt  }
0x40: {  	_ =	shalt  }
0x41: {  	_ =	shalt  }
0x42: {  	_ =	shalt  }
0x43: {  	_ =	shalt  }
0x44: {  	_ =	shalt  }
0x45: {  	_ =	shalt  }
0x46: {  	_ =	shalt  }
0x47: {  	_ =	shalt  }
0x48: {  	_ =	shalt  }
0x49: {  	_ =	shalt  }
0x4a: {  	_ =	shalt  }
0x4b: {  	_ =	shalt  }
0x4c: {  	_ =	shalt  }
0x4d: {  	_ =	shalt  }
0x4e: {  	_ =	shalt  }
0x4f: {  	_ =	shalt  }
0x50: {  	_ =	shalt  }
0x51: {  	_ =	shalt  }
0x52: {  	_ =	shalt  }
0x53: {  	_ =	shalt  }
0x54: {  	_ =	shalt  }
0x55: {  	_ =	shalt  }
0x56: {  	_ =	shalt  }
0x57: {  	_ =	shalt  }
0x58: {  	_ =	shalt  }
0x59: {  	_ =	shalt  }
0x5a: {  	_ =	shalt  }
0x5b: {  	_ =	shalt  }
0x5c: {  	_ =	shalt  }
0x5d: {  	_ =	shalt  }
0x5e: {  	_ =	shalt  }
0x5f: {  	_ =	shalt  }
0x60: {  	_ =	shalt  }
0x61: {  	_ =	shalt  }
0x62: {  	_ =	shalt  }
0x63: {  	_ =	shalt  }
0x64: {  	_ =	shalt  }
0x65: {  	_ =	shalt  }
0x66: {  	_ =	shalt  }
0x67: {  	_ =	shalt  }
0x68: {  	_ =	shalt  }
0x69: {  	_ =	shalt  }
0x6a: {  	_ =	shalt  }
0x6b: {  	_ =	shalt  }
0x6c: {  	_ =	shalt  }
0x6d: {  	_ =	shalt  }
0x6e: {  	_ =	shalt  }
0x6f: {  	_ =	shalt  }
0x70: {  	_ =	shalt  }
0x71: {  	_ =	shalt  }
0x72: {  	_ =	shalt  }
0x73: {  	_ =	shalt  }
0x74: {  	_ =	shalt  }
0x75: {  	_ =	shalt  }
0x76: {  	_ =	shalt  }
0x77: {  	_ =	shalt  }
0x78: {  	_ =	shalt  }
0x79: {  	_ =	shalt  }
0x7a: {  	_ =	shalt  }
0x7b: {  	_ =	shalt  }
0x7c: {  	_ =	shalt  }
0x7d: {  	_ =	shalt  }
0x7e: {  	_ =	shalt  }
0x7f: {  	_ =	shalt  }
0x80: {  	_ =	shalt  }
0x81: {  	_ =	shalt  }
0x82: {  	_ =	shalt  }
0x83: {  	_ =	shalt  }
0x84: {  	_ =	shalt  }
0x85: {  	_ =	shalt  }
0x86: {  	_ =	shalt  }
0x87: {  	_ =	shalt  }
.Lfunc_end0:
.L_simem_size_0:
called_computation_lowered:
.L_overlay_start_0:
0x88: {  	s2 =	sld [smem:$0x3FD9]  }
0x89: {  	s3 =	sld [smem:$0x3FFE];
	_ =	sdelay $0x1  }
0x8a: {  	s1 =	srdreg.scid  }
0x8b: {  	s0 =	sand.u32 $0x1, s1  }
0x8c: {  	s17 =	sshll.u32 s0, $0xA;
	s2 =	sadd.s32 s3, s2  }
0x8d: {  	s2 =	sadd.s32 s2, s17  }
0x8e: {  	[smem:$0x3FC6] =	sst s2  }
0x8f: {  	_ = 	snop  }
0x90: {  	s2 =	sld [smem:$0x3FC9];
	(tm) =	ssettm $0x1  }
0x91: {  	s18 =	sld [smem:$0x3FFB];
	_ =	sdelay $0x3  }
0x92: {  	_ =	strace s18  }
0x93: {  	s3 =	sld [smem:$0x3FFC];
	_ =	sdelay $0x3  }
0x94: {  	_ =	strace s3  }
0x95: {  	s3 =	sld [smem:$0x3FFD];
	_ =	sdelay $0x3  }
0x96: {  	_ =	strace s3  }
0x97: {  	_ =	strace $0x8FFFFFFF  }
0x98: {  	s19 =	sld [smem:$0x3FDB];
	_ =	sdelay $0x1  }
0x99: {  	s4 =	simm.s32 $_scs_section_size  }
0x9a: {  	s5 =	simm.s32 $_size__tile_overlayer_lowered;
	s6 =	simm.s32 $_tile_overlayer_lowered  }
0x9b: {  	s22 =	simm.s32 $0x1BFF;
	s21 =	sshll.u32 s6, $0x1;
	s3 =	sadd.s32 s4, s19  }
0x9c: {  	s7 =	simm.s32 $0x0;
	s20 =	sshll.u32 s5, $0x1;
	s5 =	sadd.s32 s21, s3  }
0x9d: {  	[timem:s7], [sflag:s22] =	dma.local [hbm:s5], s20  }
0x9e: {  	_ =	swait.ge [sflag:s22], s20  }
0x9f: {  	s4 =	ssub.s32 $0x0, s20;
	[sflag:s22] =	ssyncset.done $0x0  }
0xa0: {  	[sflag:s22] =	ssyncadd.s32 s4;
	_ =	sdelay $0x1  }
0xa1: {  	s23 =	simm.s32 $0x1B8B  }
0xa2: {  	_ =	swait.ge [sflag:s23], $0x1  }
0xa3: {  	[sflag:s23] =	ssyncset.done $0x0  }
0xa4: {  	s25 =	simm.s32 $0x1B8E;
	s24 =	sld [smem:$0x3FFE];
	[sflag:s23] =	ssyncadd.s32 $0xFFFFFFFF  }
0xa5: {  	s26 =	simm.s32 $execute0_lowered;
	[smem:$0x3FD2] =	sst s25  }
0xa6: {  	s5 =	sshll.u32 s26, $0x1;
	_ =	strace $0x80000046;
	[dreg:$0x1] =	wrdreg $0xFFFFFFFF  }
0xa7: {  	s28 =	simm.s32 $_size_execute0_lowered;
	s3 =	sadd.s32 s3, s5;
	[dreg:$0x0] =	wrdreg $0x0  }
0xa8: {  	s5 =	sshll.u32 s28, $0x1;
	[dreg:$0x2] =	wrdreg s3  }
0xa9: {  	[dreg:$0x3] =	wrdreg s5  }
0xaa: {  	[dreg:$0x4] =	wrdreg $0xC0  }
0xab: {  	_ =	task [dreg:s7], $0x5FFFF  }
0xac: {  	[dreg:$0x1] =	wrdreg $0xFFFFFFFF  }
0xad: {  	[dreg:$0x0] =	wrdreg $0x60  }
0xae: {  	[dreg:$0x2] =	wrdreg s2  }
0xaf: {  	[dreg:$0x3] =	wrdreg s24  }
0xb0: {  	[dreg:$0x4] =	wrdreg $0x9  }
0xb1: {  	_ =	task.clear_ibuf [dreg:s7], $0x5FFFF;
	_ =	strace $0x90000046  }
0xb2: {  	s29 =	simm.s32 $0x9;
	_ =	strace $0x80000048  }
0xb3: {  	_ =	swait.ge [sflag:s29], $0x1  }
0xb4: {  	[sflag:s29] =	ssyncadd.s32 $0xFFFFFFFF  }
0xb5: {  	_ =	strace $0x90000048  }
0xb6: {  	_ =	sfence  }
0xb7: {  	s30 =	sld [smem:$0x0];
	_ =	sdelay $0x2  }
0xb8: {  	s31 =	sshll.u32 s1, $0xD;
	s1 =	sshrl.u32 s1, $0x2  }
0xb9: {  	s3 =	sand.u32 $0x4000, s31;
	s1 =	sadd.s32 s1, s30  }
0xba: {  	s0 =	sor.u32 s3, s0;
	s1 =	sshll.u32 s1, $0x11  }
0xbb: {  	s0 =	sor.u32 s1, s0  }
0xbc: {  	s0 =	sadd.s32 $0x8F2B, s0  }
0xbd: {  	[sflag:s0] =	ssyncadd.remote.s32 $0x1  }
0xbe: {  	_ =	sfence.sel $0xFFFF  }
0xbf: {  	[dreg:$0x0] =	wrdreg $0xFFFFFFFF;
	(pc) =	sbr.abs _section_cstart, $3  }
0xc0: {  	[dreg:$0x1] =	wrdreg $0xFFFFFFFF  }
0xc1: {  	_ =	task.clear_ibuf [dreg:s7], $0x2FFFF;
	_ =	strace $0x9FFFFFFF  }
0xc2: {  	(tm) =	ssettm $0x7FFFFFFF  }
0xc3: {  	_ =	shalt  }
tec
execute0_lowered:
.L_overlay_start_1:
0x0: {  	(tag) =	ssettag $0x1  }
0x1: {  	s0 =	srdreg.scid;
	s2 =	rddreg [dreg:$0x0]  }
0x2: {  	s1 =	stileid.u32;
	s5 =	rddreg [dreg:$0x1];
	s3 =	simm.s32 $0x0  }
0x3: {  	s10 =	simm.s32 $0x5;
	s11 =	simm.s32 $0x80;
	s18 =	simm.s32 $0x1  }
0x4: {  	s19 =	simm.s32 $0x200;
	s20 =	simm.s32 $0x4400;
	s21 =	simm.s32 $0x280  }
0x5: {  	s22 =	simm.s32 $0x5400;
	s23 =	simm.s32 $0x300;
	s24 =	simm.s32 $0x6400  }
0x6: {  	s25 =	simm.s32 $0x380;
	s0 =	sand.u32 $0x1, s0;
	s1 =	sshll.u32 s1, $0x1  }
0x7: {  	s28 =	simm.s32 $0x8400;
	s29 =	simm.s32 $0x2;
	s1 =	sor.u32 s0, s1  }
0x8: {  	v0 =	vlaneseq.u32;
	s30 =	simm.s32 $0xC500;
	s31 =	simm.s32 $0x3;
	s4 =	smul.u32 $0x6400, s1  }
0x9: {  	v1 =	vimm.s32 $0x0;
	vm0 =	vcmask $0x300;
	[smem:$0x7FF] =	sst s3;
	v0 =	vmul.u32 $0x208, v0;
	s0 =	ssub.s32 $0x2, s0;
	s6 =	smul.u32 $0x2400, s1  }
0xa: {  	s9 =	sadd.s32 $0x40, s2;
	v1 =	vsel vm0, $0x3, v1;
	_ =	strace $0x80000047;
	s8 =	sshrl.u32 s0, $0x1  }
0xb: {  	v2 =	vadd.s32 $0x2080, v0;
	v3 =	vor.u32 $0x1, v0;
	v4 =	vadd.s32 $0x2081, v0;
	s0 =	ssub.s32 s0, s8;
	s7 =	sand.u32 $0xFC000, s4;
	s6 =	sand.u32 $0x3C00, s6  }
0xc: {  	v5 =	vor.u32 $0x2, v0;
	v6 =	vadd.s32 $0x2082, v0;
	v7 =	vor.u32 $0x3, v0;
	s4 =	sadd.s32 $0xF42800, s5;
	s0 =	smax.u32 s0, $0x1;
	s6 =	sor.u32 s6, s7  }
0xd: {  	v8 =	vadd.s32 $0x2083, v0;
	v9 =	vor.u32 $0x4, v0;
	v10 =	vadd.s32 $0x2084, v0;
	s5 =	sadd.s32 $0x400, s5;
	[dreg:$0x4] =	wrdreg s0;
	s7 =	sshrl.u32 s6, $0x3  }
0xe: {  	v11 =	vor.u32 $0x5, v0;
	v12 =	vadd.s32 $0x2085, v0;
	v13 =	vor.u32 $0x6, v0;
	s0 =	simm.s32 $0x0;
	s6 =	smul.u32 $0x32, s1;
	s26 =	sadd.s32 s2, s7  }
0xf: {  	v14 =	vadd.s32 $0x2086, v0;
	v15 =	vor.u32 $0x7, v0;
	v16 =	vadd.s32 $0x2087, v0;
	s1 =	simm.s32 $0x4;
	[dreg:$0x3] =	wrdreg s26;
	s26 =	simm.s32 $0x7400  }
.LBB2_1:
0x10: {  	s7 =	rddreg [dreg:$0x3]  }
0x11: {  	[tilespmem:s3], [sflag:$0x5] =	stream.linear.gather [hbm4b:s7+s3], $0x200, $0x38;
	[tilespmem:$0x10600] =	vst v63  }
0x12: {  	_ =	swait.ge [sflag:s10], $0x200  }
0x13: {  	[sflag:s10] =	ssyncset.done $0x0  }
0x14: {  	s13 =	simm.s32 $0x400;
	[sflag:s10] =	ssyncadd.s32 $0xFFFFFE00  }
0x15: {  	[tilespmem:s13], [sflag:$0x1] =	stream.indirect.gather [hbm4b:s4+s11], $0x20, s3, s11, $0xb8;
	[tilespmem:$0x10600] =	vst v63  }
0x16: {  	s14 =	simm.s32 $0x1400  }
0x17: {  	[tilespmem:s14], [sflag:$0x1] =	stream.indirect.gather [hbm4b:s4+s11], $0x20, s11, s11, $0xb8;
	[tilespmem:$0x10600] =	vst v63  }
0x18: {  	s15 =	simm.s32 $0x100;
	s8 =	simm.s32 $0x2400  }
0x19: {  	[tilespmem:s8], [sflag:$0x1] =	stream.indirect.gather [hbm4b:s4+s11], $0x20, s15, s11, $0xb8;
	[tilespmem:$0x10600] =	vst v63  }
0x1a: {  	s16 =	simm.s32 $0x180;
	s17 =	simm.s32 $0x3400;
	s12 =	simm.s32 $0x0  }
0x1b: {  	[tilespmem:s17], [sflag:$0x1] =	stream.indirect.gather [hbm4b:s4+s11], $0x20, s16, s11, $0xb8;
	[tilespmem:$0x10600] =	vst v63  }
.LBB2_2:
0x1c: {  	s7 =	sshll.u32 s12, $0x1  }
0x1d: {  	s13 =	sadd.s32 s6, s7  }
0x1e: {  	s7 =	sshll.u32 s13, $0x6  }
0x1f: {  	s15 =	sand.u32 $0xFFFF800, s7  }
0x20: {  	_ =	swait.ge [sflag:s18], $0x4000;
	s14 =	sand.u32 $0x780, s7;
	s15 =	sadd.s32 s2, s15  }
0x21: {  	[sflag:s18] =	ssyncset.done $0x0;
	s7 =	sadd.s32 s14, s15  }
0x22: {  	[sflag:s18] =	ssyncadd.s32 $0xFFFFC000;
	s7 =	sadd.s32 $0x40, s7  }
0x23: {  	[tilespmem:s19], [sflag:$0x5] =	stream.linear.gather [hbm4b:s7+s3], $0x200, $0x38;
	[tilespmem:$0x10600] =	vst v63  }
0x24: {  	_ =	swait.ge [sflag:s10], $0x200  }
0x25: {  	[sflag:s10] =	ssyncset.done $0x0  }
0x26: {  	[sflag:s10] =	ssyncadd.s32 $0xFFFFFE00  }
0x27: {  	[tilespmem:s20], [sflag:$0x2] =	stream.indirect.gather [hbm4b:s4+s11], $0x20, s19, s11, $0xb8;
	[tilespmem:$0x10600] =	vst v63  }
0x28: {  	_ = 	snop  }
0x29: {  	[tilespmem:s22], [sflag:$0x2] =	stream.indirect.gather [hbm4b:s4+s11], $0x20, s21, s11, $0xb8;
	[tilespmem:$0x10600] =	vst v63  }
0x2a: {  	s16 =	simm.s32 $0xF;
	p0 =	seq.s32 s12, $0x0  }
0x2b: {  	[tilespmem:s24], [sflag:$0x2] =	stream.indirect.gather [hbm4b:s4+s11], $0x20, s23, s11, $0xb8;
	[tilespmem:$0x10600] =	vst v63  }
0x2c: {  	s17 =	simm.s32 $0x0;
	v17 =	vmov s16;
	s7 =	simm.s32 @!p0 $0x3  }
0x2d: {  	v18 =	vmov s17;
	v17 =	vshrl.u32 v17, $0x3;
	[tilespmem:s26], [sflag:$0x2] =	stream.indirect.gather [hbm4b:s4+s11], $0x20, s25, s11, $0xb8;
	[tilespmem:$0x10600] =	vst v63  }
0x2e: {  	v18 =	vshrl.u32 v18, $0x3;
	v17 =	vshll.u32 v17, v1;
	_ =	swait.ge @!p0 [sflag:s7], $0x4000  }
0x2f: {  	s8 =	simm.s32 $0x1;
	v18 =	vshll.u32 v18, v1;
	v17 =	vbroadcast v17, $0x0;
	[sflag:s7] =	ssyncset.done @!p0 $0x0  }
0x30: {  	s16 =	simm.s32 $0x500;
	v19 =	vmov s8;
	v18 =	vbroadcast v18, $0x0;
	[sflag:s7] =	ssyncadd.s32 @!p0 $0xFFFFC000  }
0x31: {  	s17 =	simm.s32 $0x2;
	v19 =	vshrl.u32 v19, $0x3;
	v21 =	vadd.s32 v15, v17;
	v20 =	vld [tilespmem:s16+$0xE0]  }
0x32: {  	v22 =	vmov s17;
	v19 =	vshll.u32 v19, v1;
	v25 =	vadd.s32 v0, v18;
	v24 =	vld [tilespmem:s16+$0xFFFFFF00]  }
0x33: {  	s8 =	simm.s32 $0x3;
	v22 =	vshrl.u32 v22, $0x3;
	v19 =	vbroadcast v19, $0x0;
	v17 =	vadd.s32 v16, v17;
	v23 =	vld [tilespmem:s16+$0xF0]  }
0x34: {  	v27 =	vmov s8;
	v22 =	vshll.u32 v22, v1;
	v18 =	vadd.s32 v2, v18;
	v26 =	vld [tilespmem:s16+$0xFFFFFF10]  }
0x35: {  	v27 =	vshrl.u32 v27, $0x3;
	v22 =	vbroadcast v22, $0x0;
	s15 =	simm.s32 $0x4;
	v29 =	vadd.s32 v3, v19;
	v28 =	vld [tilespmem:s16+$0xFFFFFF20]  }
0x36: {  	v27 =	vshll.u32 v27, v1;
	v19 =	vadd.s32 v4, v19;
	v31 =	vmov s15;
	v30 =	vld [tilespmem:s16+$0xFFFFFF30];
	[tilespmem:v21+s28+$0x0] =	vst.idx.msk $0xffff, v20  }
0x37: {  	s17 =	simm.s32 $0x5;
	v27 =	vbroadcast v27, $0x0;
	v31 =	vshrl.u32 v31, $0x3;
	v20 =	vld [tilespmem:s16+$0xFFFFFF40];
	v21 =	vadd.s32 v5, v22;
	[tilespmem:v25+s28+$0x0] =	vst.idx.msk $0xffff, v24  }
0x38: {  	v22 =	vadd.s32 v6, v22;
	v24 =	vmov s17;
	[tilespmem:v17+s28+$0x0] =	vst.idx.msk $0xffff, v23;
	v17 =	vld [tilespmem:s16+$0xFFFFFF50];
	v23 =	vshll.u32 v31, v1  }
0x39: {  	s8 =	simm.s32 $0x6;
	v25 =	vadd.s32 v7, v27;
	[tilespmem:v18+s28+$0x0] =	vst.idx.msk $0xffff, v26;
	v18 =	vld [tilespmem:s16+$0xFFFFFF60];
	v24 =	vshrl.u32 v24, $0x3;
	v23 =	vbroadcast v23, $0x0  }
0x3a: {  	[tilespmem:v29+s28+$0x0] =	vst.idx.msk $0xffff, v28;
	v27 =	vadd.s32 v8, v27;
	v28 =	vmov s8;
	v26 =	vld [tilespmem:s16+$0xFFFFFF70];
	v24 =	vshll.u32 v24, v1  }
0x3b: {  	s15 =	simm.s32 $0x7;
	[tilespmem:v19+s28+$0x0] =	vst.idx.msk $0xffff, v30;
	v19 =	vld [tilespmem:s16+$0xFFFFFF80];
	v28 =	vshrl.u32 v28, $0x3;
	v24 =	vbroadcast v24, $0x0;
	v29 =	vadd.s32 v9, v23  }
0x3c: {  	[tilespmem:v21+s28+$0x0] =	vst.idx.msk $0xffff, v20;
	v20 =	vld [tilespmem:s16+$0xFFFFFF90];
	v21 =	vadd.s32 v10, v23;
	v23 =	vshll.u32 v28, v1;
	v28 =	vmov s15  }
0x3d: {  	s17 =	simm.s32 $0x8;
	[tilespmem:v22+s28+$0x0] =	vst.idx.msk $0xffff, v17;
	v17 =	vld [tilespmem:s16+$0xFFFFFFA0];
	v22 =	vadd.s32 v11, v24;
	v23 =	vbroadcast v23, $0x0;
	v28 =	vshrl.u32 v28, $0x3  }
0x3e: {  	[tilespmem:v25+s28+$0x0] =	vst.idx.msk $0xffff, v18;
	v18 =	vld [tilespmem:s16+$0xFFFFFFB0];
	v24 =	vadd.s32 v12, v24;
	v25 =	vshll.u32 v28, v1;
	v28 =	vmov s17  }
0x3f: {  	s8 =	simm.s32 $0x9;
	[tilespmem:v27+s28+$0x0] =	vst.idx.msk $0xffff, v26;
	v26 =	vld [tilespmem:s16+$0xFFFFFFC0];
	v27 =	vadd.s32 v13, v23;
	v25 =	vbroadcast v25, $0x0;
	v28 =	vshrl.u32 v28, $0x3  }
0x40: {  	v23 =	vadd.s32 v14, v23;
	[tilespmem:v29+s28+$0x0] =	vst.idx.msk $0xffff, v19;
	v19 =	vld [tilespmem:s16+$0xFFFFFFD0];
	v28 =	vshll.u32 v28, v1;
	v29 =	vmov s8  }
0x41: {  	s15 =	simm.s32 $0xA;
	[tilespmem:v21+s28+$0x0] =	vst.idx.msk $0xffff, v20;
	v20 =	vld [tilespmem:s16+$0xFFFFFFE0];
	v21 =	vadd.s32 v15, v25;
	v28 =	vbroadcast v28, $0x0;
	v29 =	vshrl.u32 v29, $0x3  }
0x42: {  	[tilespmem:v22+s28+$0x0] =	vst.idx.msk $0xffff, v17;
	v17 =	vld [tilespmem:s16+$0xFFFFFFF0];
	v22 =	vadd.s32 v16, v25;
	v25 =	vshll.u32 v29, v1;
	v29 =	vmov s15  }
0x43: {  	s17 =	simm.s32 $0xB;
	[tilespmem:v24+s28+$0x0] =	vst.idx.msk $0xffff, v18;
	v18 =	vld [tilespmem:s16+$0x0];
	v24 =	vadd.s32 v0, v28;
	v25 =	vbroadcast v25, $0x0;
	v29 =	vshrl.u32 v29, $0x3  }
0x44: {  	[tilespmem:v27+s28+$0x0] =	vst.idx.msk $0xffff, v26;
	v26 =	vld [tilespmem:s16+$0x10];
	v27 =	vadd.s32 v2, v28;
	v28 =	vshll.u32 v29, v1;
	v29 =	vmov s17  }
0x45: {  	s8 =	simm.s32 $0xC;
	[tilespmem:v23+s28+$0x0] =	vst.idx.msk $0xffff, v19;
	v19 =	vld [tilespmem:s16+$0x20];
	v23 =	vadd.s32 v3, v25;
	v28 =	vbroadcast v28, $0x0;
	v29 =	vshrl.u32 v29, $0x3  }
0x46: {  	v30 =	vld [tilespmem:s16+$0x30];
	v31 =	vadd.s32 v4, v25;
	[tilespmem:v21+s28+$0x0] =	vst.idx.msk $0xffff, v20;
	v20 =	vshll.u32 v29, v1;
	v21 =	vmov s8  }
0x47: {  	s15 =	simm.s32 $0xD;
	v29 =	vld [tilespmem:s16+$0x40];
	[tilespmem:v22+s28+$0x0] =	vst.idx.msk $0xffff, v17;
	v32 =	vadd.s32 v5, v28;
	v22 =	vbroadcast v20, $0x0;
	v17 =	vshrl.u32 v21, $0x3  }
0x48: {  	v20 =	vld [tilespmem:s16+$0x50];
	v25 =	vadd.s32 v6, v28;
	[tilespmem:v24+s28+$0x0] =	vst.idx.msk $0xffff, v18;
	v18 =	vshll.u32 v17, v1;
	v24 =	vmov s15  }
0x49: {  	s17 =	simm.s32 $0xE;
	v17 =	vld [tilespmem:s16+$0x60];
	[tilespmem:v27+s28+$0x0] =	vst.idx.msk $0xffff, v26;
	v21 =	vadd.s32 v7, v22;
	v33 =	vbroadcast v18, $0x0;
	v24 =	vshrl.u32 v24, $0x3  }
0x4a: {  	v18 =	vld [tilespmem:s16+$0x70];
	v22 =	vadd.s32 v8, v22;
	[tilespmem:v23+s28+$0x0] =	vst.idx.msk $0xffff, v19;
	v19 =	vshll.u32 v24, v1;
	v24 =	vmov s17  }
0x4b: {  	s8 =	simm.s32 $0x1F;
	v23 =	vld [tilespmem:s16+$0x80];
	[tilespmem:v31+s28+$0x0] =	vst.idx.msk $0xffff, v30;
	v26 =	vadd.s32 v9, v33;
	v27 =	vbroadcast v19, $0x0;
	v30 =	vshrl.u32 v24, $0x3  }
0x4c: {  	s7 =	simm.s32 $0x20;
	v28 =	vmov s8;
	s15 =	sshllo.u32 s12, $0x1;
	s17 =	simm.s32 $0x10;
	v19 =	vld [tilespmem:s16+$0x90];
	v24 =	vadd.s32 v10, v33;
	[tilespmem:v32+s28+$0x0] =	vst.idx.msk $0xffff, v29;
	v29 =	vshll.u32 v30, v1  }
.LBB2_3:
0x4d: {  	p0 =	slt.u32 s7, $0x1F0;
	v28 =	vshrl.u32 v28, $0x3;
	[tilespmem:v25+s28+$0x0] =	vst.idx.msk $0xffff, v20;
	v20 =	vld [tilespmem:s16+$0xA0];
	v25 =	vadd.s32 v11, v27;
	v29 =	vbroadcast v29, $0x0  }
0x4e: {  	v30 =	vmov s17;
	v28 =	vshll.u32 v28, v1;
	[tilespmem:v21+s28+$0x0] =	vst.idx.msk $0xffff, v17;
	v17 =	vld [tilespmem:s16+$0xB0];
	v21 =	vadd.s32 v12, v27  }
0x4f: {  	s8 =	sadd.s32 $0x1, s17;
	v27 =	vshrl.u32 v30, $0x3;
	v28 =	vbroadcast v28, $0x0;
	[tilespmem:v22+s28+$0x0] =	vst.idx.msk $0xffff, v18;
	v18 =	vld [tilespmem:s16+$0xC0];
	v22 =	vadd.s32 v13, v29  }
0x50: {  	v30 =	vmov s8;
	v27 =	vshll.u32 v27, v1;
	[tilespmem:v26+s28+$0x0] =	vst.idx.msk $0xffff, v23;
	v23 =	vld [tilespmem:s16+$0xD0];
	v26 =	vadd.s32 v14, v29;
	s16 =	sadd.s32 $0x200, s16  }
0x51: {  	s8 =	sadd.s32 $0x2, s17;
	v27 =	vbroadcast v27, $0x0;
	v29 =	vshrl.u32 v30, $0x3;
	v30 =	vld [tilespmem:s16+$0xE0];
	v31 =	vadd.s32 v15, v28;
	[tilespmem:v24+s28+$0x0] =	vst.idx.msk $0xffff, v19  }
0x52: {  	v19 =	vshll.u32 v29, v1;
	v24 =	vmov s8;
	v28 =	vadd.s32 v16, v28;
	v29 =	vld [tilespmem:s16+$0xF0];
	[tilespmem:v25+s28+$0x0] =	vst.idx.msk $0xffff, v20  }
0x53: {  	s8 =	sadd.s32 $0x3, s17;
	v25 =	vadd.s32 v0, v27;
	v19 =	vbroadcast v19, $0x0;
	v24 =	vshrl.u32 v24, $0x3;
	v20 =	vld [tilespmem:s16+$0xFFFFFF00];
	[tilespmem:v21+s28+$0x0] =	vst.idx.msk $0xffff, v17  }
0x54: {  	v21 =	vadd.s32 v2, v27;
	v24 =	vshll.u32 v24, v1;
	v27 =	vmov s8;
	v17 =	vld [tilespmem:s16+$0xFFFFFF10];
	[tilespmem:v22+s28+$0x0] =	vst.idx.msk $0xffff, v18  }
0x55: {  	s8 =	sadd.s32 $0x4, s17;
	v22 =	vadd.s32 v3, v19;
	v24 =	vbroadcast v24, $0x0;
	v27 =	vshrl.u32 v27, $0x3;
	v18 =	vld [tilespmem:s16+$0xFFFFFF20];
	[tilespmem:v26+s28+$0x0] =	vst.idx.msk $0xffff, v23  }
0x56: {  	v19 =	vadd.s32 v4, v19;
	v26 =	vshll.u32 v27, v1;
	v27 =	vmov s8;
	v23 =	vld [tilespmem:s16+$0xFFFFFF30];
	[tilespmem:v31+s28+$0x0] =	vst.idx.msk $0xffff, v30  }
0x57: {  	s8 =	sadd.s32 $0x5, s17;
	v31 =	vadd.s32 v5, v24;
	v26 =	vbroadcast v26, $0x0;
	v27 =	vshrl.u32 v27, $0x3;
	v30 =	vld [tilespmem:s16+$0xFFFFFF40];
	[tilespmem:v28+s28+$0x0] =	vst.idx.msk $0xffff, v29  }
0x58: {  	v24 =	vadd.s32 v6, v24;
	[tilespmem:v25+s28+$0x0] =	vst.idx.msk $0xffff, v20;
	v20 =	vld [tilespmem:s16+$0xFFFFFF50];
	v25 =	vshll.u32 v27, v1;
	v27 =	vmov s8  }
0x59: {  	s8 =	sadd.s32 $0x6, s17;
	[tilespmem:v21+s28+$0x0] =	vst.idx.msk $0xffff, v17;
	v17 =	vld [tilespmem:s16+$0xFFFFFF60];
	v21 =	vadd.s32 v7, v26;
	v25 =	vbroadcast v25, $0x0;
	v27 =	vshrl.u32 v27, $0x3  }
0x5a: {  	[tilespmem:v22+s28+$0x0] =	vst.idx.msk $0xffff, v18;
	v18 =	vld [tilespmem:s16+$0xFFFFFF70];
	v22 =	vadd.s32 v8, v26;
	v26 =	vshll.u32 v27, v1;
	v27 =	vmov s8  }
0x5b: {  	s8 =	sadd.s32 $0x7, s17;
	[tilespmem:v19+s28+$0x0] =	vst.idx.msk $0xffff, v23;
	v19 =	vld [tilespmem:s16+$0xFFFFFF80];
	v23 =	vadd.s32 v9, v25;
	v26 =	vbroadcast v26, $0x0;
	v27 =	vshrl.u32 v27, $0x3  }
0x5c: {  	v25 =	vadd.s32 v10, v25;
	v29 =	vmov s8;
	[tilespmem:v31+s28+$0x0] =	vst.idx.msk $0xffff, v30;
	v28 =	vld [tilespmem:s16+$0xFFFFFF90];
	v27 =	vshll.u32 v27, v1  }
0x5d: {  	s8 =	sadd.s32 $0x8, s17;
	v29 =	vshrl.u32 v29, $0x3;
	[tilespmem:v24+s28+$0x0] =	vst.idx.msk $0xffff, v20;
	v20 =	vld [tilespmem:s16+$0xFFFFFFA0];
	v24 =	vadd.s32 v11, v26;
	v27 =	vbroadcast v27, $0x0  }
0x5e: {  	[tilespmem:v21+s28+$0x0] =	vst.idx.msk $0xffff, v17;
	v17 =	vld [tilespmem:s16+$0xFFFFFFB0];
	v21 =	vadd.s32 v12, v26;
	v26 =	vshll.u32 v29, v1;
	v29 =	vmov s8  }
0x5f: {  	s8 =	sadd.s32 $0x9, s17;
	[tilespmem:v22+s28+$0x0] =	vst.idx.msk $0xffff, v18;
	v18 =	vld [tilespmem:s16+$0xFFFFFFC0];
	v22 =	vadd.s32 v13, v27;
	v26 =	vbroadcast v26, $0x0;
	v29 =	vshrl.u32 v29, $0x3  }
0x60: {  	[tilespmem:v23+s28+$0x0] =	vst.idx.msk $0xffff, v19;
	v19 =	vld [tilespmem:s16+$0xFFFFFFD0];
	v23 =	vadd.s32 v14, v27;
	v27 =	vshll.u32 v29, v1;
	v29 =	vmov s8  }
0x61: {  	s8 =	sadd.s32 $0xA, s17;
	[tilespmem:v25+s28+$0x0] =	vst.idx.msk $0xffff, v28;
	v25 =	vld [tilespmem:s16+$0xFFFFFFE0];
	v28 =	vadd.s32 v15, v26;
	v27 =	vbroadcast v27, $0x0;
	v29 =	vshrl.u32 v29, $0x3  }
0x62: {  	[tilespmem:v24+s28+$0x0] =	vst.idx.msk $0xffff, v20;
	v20 =	vld [tilespmem:s16+$0xFFFFFFF0];
	v24 =	vadd.s32 v16, v26;
	v26 =	vshll.u32 v29, v1;
	v29 =	vmov s8  }
0x63: {  	s8 =	sadd.s32 $0xB, s17;
	[tilespmem:v21+s28+$0x0] =	vst.idx.msk $0xffff, v17;
	v17 =	vld [tilespmem:s16+$0x0];
	v21 =	vadd.s32 v0, v27;
	v26 =	vbroadcast v26, $0x0;
	v29 =	vshrl.u32 v29, $0x3  }
0x64: {  	[tilespmem:v22+s28+$0x0] =	vst.idx.msk $0xffff, v18;
	v18 =	vld [tilespmem:s16+$0x10];
	v22 =	vadd.s32 v2, v27;
	v27 =	vshll.u32 v29, v1;
	v29 =	vmov s8  }
0x65: {  	s8 =	sadd.s32 $0xC, s17;
	[tilespmem:v23+s28+$0x0] =	vst.idx.msk $0xffff, v19;
	v19 =	vld [tilespmem:s16+$0x20];
	v23 =	vadd.s32 v3, v26;
	v27 =	vbroadcast v27, $0x0;
	v29 =	vshrl.u32 v29, $0x3  }
0x66: {  	v26 =	vadd.s32 v4, v26;
	[tilespmem:v28+s28+$0x0] =	vst.idx.msk $0xffff, v25;
	v28 =	vld [tilespmem:s16+$0x30];
	v25 =	vshll.u32 v29, v1;
	v29 =	vmov s8  }
0x67: {  	s8 =	sadd.s32 $0xD, s17;
	[tilespmem:v24+s28+$0x0] =	vst.idx.msk $0xffff, v20;
	v24 =	vld [tilespmem:s16+$0x40];
	v30 =	vadd.s32 v5, v27;
	v31 =	vbroadcast v25, $0x0;
	v29 =	vshrl.u32 v29, $0x3  }
.Ltmp0:
0x68: {  	v25 =	vadd.s32 v6, v27;
	[tilespmem:v21+s28+$0x0] =	vst.idx.msk $0xffff, v17;
	v20 =	vld [tilespmem:s16+$0x50];
	v27 =	vshll.u32 v29, v1;
	v29 =	vmov s8;
	(pc) =	sbr.rel @p0 .LBB2_3-.Ltmp0, $4  }
0x69: {  	s8 =	sadd.s32 $0xE, s17;
	s17 =	smov.u32 s7;
	[tilespmem:v22+s28+$0x0] =	vst.idx.msk $0xffff, v18;
	v17 =	vld [tilespmem:s16+$0x60];
	v21 =	vadd.s32 v7, v31;
	v32 =	vbroadcast v27, $0x0;
	v27 =	vshrl.u32 v29, $0x3  }
0x6a: {  	v22 =	vadd.s32 v8, v31;
	v29 =	vmov s8;
	[tilespmem:v23+s28+$0x0] =	vst.idx.msk $0xffff, v19;
	v18 =	vld [tilespmem:s16+$0x70];
	v19 =	vshll.u32 v27, v1  }
0x6b: {  	s8 =	sadd.s32 $0xF, s7;
	v29 =	vshrl.u32 v29, $0x3;
	[tilespmem:v26+s28+$0x0] =	vst.idx.msk $0xffff, v28;
	v23 =	vld [tilespmem:s16+$0x80];
	v26 =	vadd.s32 v9, v32;
	v27 =	vbroadcast v19, $0x0  }
0x6c: {  	s7 =	sadd.s32 $0x10, s7;
	v28 =	vmov s8;
	v29 =	vshll.u32 v29, v1;
	[tilespmem:v30+s28+$0x0] =	vst.idx.msk $0xffff, v24;
	v19 =	vld [tilespmem:s16+$0x90];
	v24 =	vadd.s32 v10, v32  }
0x6d: {  	_ = 	snop  }
0x6e: {  	v28 =	vshrl.u32 v28, $0x3;
	v55 =	vadd.s32 v11, v27  }
0x6f: {  	v54 =	vld [tilespmem:s16+$0xA0];
	v29 =	vbroadcast v29, $0x0;
	v30 =	vmov s17;
	v56 =	vadd.s32 v12, v27;
	s7 =	sadd.s32 $0x1, s17  }
0x70: {  	v60 =	vld [tilespmem:s16+$0xD0];
	s8 =	sadd.s32 $0x2, s17;
	v28 =	vshll.u32 v28, v1;
	v57 =	vshrl.u32 v30, $0x3;
	v59 =	vmov s7  }
0x71: {  	[tilespmem:v21+s28+$0x0] =	vst.idx.msk $0xffff, v17;
	v17 =	vld [tilespmem:s16+$0xB0];
	v32 =	vmov s8;
	v28 =	vbroadcast v28, $0x0;
	v58 =	vadd.s32 v13, v29  }
0x72: {  	s7 =	sadd.s32 $0x200, s16;
	[tilespmem:v22+s28+$0x0] =	vst.idx.msk $0xffff, v18;
	v18 =	vld [tilespmem:s16+$0xC0];
	v27 =	vshll.u32 v57, v1;
	v61 =	vadd.s32 v14, v29;
	v62 =	vshrl.u32 v59, $0x3;
	s16 =	sadd.s32 $0x3, s17  }
0x73: {  	[tilespmem:v26+s28+$0x0] =	vst.idx.msk $0xffff, v23;
	v27 =	vbroadcast v27, $0x0;
	v37 =	vmov s16;
	v31 =	vadd.s32 v15, v28  }
0x74: {  	s16 =	sadd.s32 $0x4, s17;
	[tilespmem:v24+s28+$0x0] =	vst.idx.msk $0xffff, v19;
	v19 =	vshll.u32 v62, v1;
	v28 =	vadd.s32 v16, v28;
	v24 =	vshrl.u32 v32, $0x3  }
0x75: {  	v63 =	vld [tilespmem:s7+$0xE0];
	v41 =	vmov s16;
	v35 =	vadd.s32 v0, v27;
	v19 =	vbroadcast v19, $0x0  }
0x76: {  	[tilespmem:v25+s28+$0x0] =	vst.idx.msk $0xffff, v20;
	v33 =	vld [tilespmem:s7+$0xF0];
	s16 =	sadd.s32 $0x5, s17;
	v36 =	vadd.s32 v2, v27;
	v24 =	vshll.u32 v24, v1;
	v27 =	vshrl.u32 v37, $0x3  }
0x77: {  	v34 =	vld [tilespmem:s7+$0xFFFFFF00];
	[tilespmem:v55+s28+$0x0] =	vst.idx.msk $0xffff, v54;
	v46 =	vmov s16;
	s16 =	sadd.s32 $0x6, s17;
	v24 =	vbroadcast v24, $0x0;
	v40 =	vshll.u32 v27, v1  }
0x78: {  	v39 =	vld [tilespmem:s7+$0xFFFFFF30];
	[tilespmem:v56+s28+$0x0] =	vst.idx.msk $0xffff, v17;
	v27 =	vshrl.u32 v41, $0x3;
	v50 =	vmov s16;
	v38 =	vadd.s32 v3, v19  }
0x79: {  	v17 =	vld [tilespmem:s7+$0xFFFFFF10];
	s16 =	sadd.s32 $0x7, s17;
	[tilespmem:v58+s28+$0x0] =	vst.idx.msk $0xffff, v18;
	v19 =	vadd.s32 v4, v19;
	v26 =	vbroadcast v40, $0x0;
	v45 =	vshll.u32 v27, v1  }
0x7a: {  	v18 =	vld [tilespmem:s7+$0xFFFFFF20];
	v27 =	vshrl.u32 v46, $0x3;
	v53 =	vmov s16;
	[tilespmem:v61+s28+$0x0] =	vst.idx.msk $0xffff, v60;
	v43 =	vadd.s32 v5, v24  }
0x7b: {  	v42 =	vld [tilespmem:s7+$0xFFFFFF40];
	s16 =	sadd.s32 $0x8, s17;
	v24 =	vadd.s32 v6, v24;
	v25 =	vbroadcast v45, $0x0;
	v49 =	vshll.u32 v27, v1;
	[tilespmem:v31+s28+$0x0] =	vst.idx.msk $0xffff, v63  }
0x7c: {  	v44 =	vld [tilespmem:s7+$0xFFFFFF50];
	v27 =	vshrl.u32 v50, $0x3;
	v29 =	vshrl.u32 v53, $0x3;
	v58 =	vmov s16;
	[tilespmem:v28+s28+$0x0] =	vst.idx.msk $0xffff, v33  }
0x7d: {  	v52 =	vld [tilespmem:s7+$0xFFFFFF90];
	v47 =	vadd.s32 v7, v26;
	v48 =	vadd.s32 v8, v26;
	v26 =	vbroadcast v49, $0x0;
	[tilespmem:v35+s28+$0x0] =	vst.idx.msk $0xffff, v34  }
0x7e: {  	s16 =	sadd.s32 $0x9, s17;
	v27 =	vshll.u32 v27, v1;
	v57 =	vshll.u32 v29, v1;
	v29 =	vshrl.u32 v58, $0x3;
	[tilespmem:v36+s28+$0x0] =	vst.idx.msk $0xffff, v17;
	v17 =	vld [tilespmem:s7+$0xFFFFFF60]  }
0x7f: {  	v62 =	vmov s16;
	v51 =	vadd.s32 v9, v25;
	v25 =	vadd.s32 v10, v25;
	[tilespmem:v38+s28+$0x0] =	vst.idx.msk $0xffff, v18;
	v18 =	vld [tilespmem:s7+$0xFFFFFF70]  }
0x80: {  	v55 =	vadd.s32 v11, v26;
	v56 =	vadd.s32 v12, v26;
	v26 =	vbroadcast v57, $0x0;
	[tilespmem:v19+s28+$0x0] =	vst.idx.msk $0xffff, v39;
	v19 =	vld [tilespmem:s7+$0xFFFFFF80]  }
0x81: {  	v54 =	vld [tilespmem:s7+$0xFFFFFFA0];
	v27 =	vbroadcast v27, $0x0;
	v61 =	vshll.u32 v29, v1;
	v29 =	vshrl.u32 v62, $0x3;
	[tilespmem:v43+s28+$0x0] =	vst.idx.msk $0xffff, v42  }
0x82: {  	v63 =	vld [tilespmem:s7+$0xFFFFFFE0];
	s16 =	sadd.s32 $0xA, s17;
	v35 =	vshll.u32 v29, v1;
	v32 =	vadd.s32 v15, v26;
	[tilespmem:v24+s28+$0x0] =	vst.idx.msk $0xffff, v44  }
0x83: {  	v36 =	vmov s16;
	s16 =	sadd.s32 $0xB, s17;
	v59 =	vadd.s32 v13, v27;
	v60 =	vadd.s32 v14, v27;
	[tilespmem:v47+s28+$0x0] =	vst.idx.msk $0xffff, v17;
	v17 =	vld [tilespmem:s7+$0xFFFFFFB0]  }
0x84: {  	v27 =	vbroadcast v61, $0x0;
	v29 =	vshrl.u32 v36, $0x3;
	v40 =	vmov s16;
	[tilespmem:v48+s28+$0x0] =	vst.idx.msk $0xffff, v18;
	v18 =	vld [tilespmem:s7+$0xFFFFFFC0]  }
0x85: {  	s16 =	sadd.s32 $0xC, s17;
	v34 =	vadd.s32 v16, v26;
	v39 =	vshll.u32 v29, v1;
	v29 =	vshrl.u32 v40, $0x3;
	[tilespmem:v51+s28+$0x0] =	vst.idx.msk $0xffff, v19;
	v19 =	vld [tilespmem:s7+$0xFFFFFFD0]  }
0x86: {  	v45 =	vld [tilespmem:s7+$0x40];
	v37 =	vadd.s32 v0, v27;
	v38 =	vadd.s32 v2, v27;
	v44 =	vmov s16;
	[tilespmem:v55+s28+$0x0] =	vst.idx.msk $0xffff, v54  }
0x87: {  	v33 =	vld [tilespmem:s7+$0xFFFFFFF0];
	v27 =	vbroadcast v39, $0x0;
	v43 =	vshll.u32 v29, v1;
	v29 =	vshrl.u32 v44, $0x3;
	[tilespmem:v32+s28+$0x0] =	vst.idx.msk $0xffff, v63  }
0x88: {  	v26 =	vbroadcast v35, $0x0;
	v48 =	vshll.u32 v29, v1;
	[tilespmem:v56+s28+$0x0] =	vst.idx.msk $0xffff, v17;
	v17 =	vld [tilespmem:s7+$0x0]  }
0x89: {  	v46 =	vadd.s32 v5, v27;
	v47 =	vadd.s32 v6, v27;
	v27 =	vbroadcast v48, $0x0;
	[tilespmem:v59+s28+$0x0] =	vst.idx.msk $0xffff, v18;
	v18 =	vld [tilespmem:s7+$0x10]  }
0x8a: {  	v41 =	vadd.s32 v3, v26;
	[tilespmem:v60+s28+$0x0] =	vst.idx.msk $0xffff, v19;
	v19 =	vld [tilespmem:s7+$0x20]  }
0x8b: {  	v54 =	vld [tilespmem:s7+$0x80];
	[tilespmem:v25+s28+$0x0] =	vst.idx.msk $0xffff, v52;
	v55 =	vadd.s32 v9, v27  }
0x8c: {  	v42 =	vld [tilespmem:s7+$0x30];
	s16 =	sadd.s32 $0xD, s17;
	v28 =	vbroadcast v43, $0x0;
	[tilespmem:v34+s28+$0x0] =	vst.idx.msk $0xffff, v33  }
0x8d: {  	v49 =	vmov s16;
	[tilespmem:v37+s28+$0x0] =	vst.idx.msk $0xffff, v17;
	v17 =	vld [tilespmem:s7+$0x50]  }
0x8e: {  	s17 =	sadd.s32 $0xE, s17;
	v50 =	vadd.s32 v7, v28;
	v29 =	vshrl.u32 v49, $0x3;
	[tilespmem:v38+s28+$0x0] =	vst.idx.msk $0xffff, v18;
	v18 =	vld [tilespmem:s7+$0x60]  }
0x8f: {  	v53 =	vmov s17;
	v51 =	vadd.s32 v8, v28;
	v52 =	vshll.u32 v29, v1;
	[tilespmem:v41+s28+$0x0] =	vst.idx.msk $0xffff, v19;
	v19 =	vld [tilespmem:s7+$0x70]  }
0x90: {  	v29 =	vshrl.u32 v53, $0x3;
	v28 =	vbroadcast v52, $0x0;
	v57 =	vadd.s32 v10, v27;
	v56 =	vld [tilespmem:s7+$0x90];
	[tilespmem:v55+s28+$0x0] =	vst.idx.msk $0xffff, v54  }
0x91: {  	v26 =	vadd.s32 v4, v26;
	v58 =	vshll.u32 v29, v1;
	[tilespmem:v46+s28+$0x0] =	vst.idx.msk $0xffff, v45  }
0x92: {  	v27 =	vbroadcast v58, $0x0;
	v59 =	vadd.s32 v11, v28;
	[tilespmem:v47+s28+$0x0] =	vst.idx.msk $0xffff, v17;
	v17 =	vld [tilespmem:s7+$0xA0]  }
0x93: {  	v60 =	vadd.s32 v12, v28;
	[tilespmem:v50+s28+$0x0] =	vst.idx.msk $0xffff, v18;
	v18 =	vld [tilespmem:s7+$0xB0]  }
0x94: {  	v61 =	vadd.s32 v13, v27;
	[tilespmem:v51+s28+$0x0] =	vst.idx.msk $0xffff, v19;
	v19 =	vld [tilespmem:s7+$0xC0]  }
0x95: {  	v62 =	vld [tilespmem:s7+$0xD0];
	v63 =	vadd.s32 v14, v27;
	[tilespmem:v57+s28+$0x0] =	vst.idx.msk $0xffff, v56  }
0x96: {  	[tilespmem:v26+s28+$0x0] =	vst.idx.msk $0xffff, v42  }
0x97: {  	s16 =	sshll.u32 s13, $0xB;
	[tilespmem:v59+s28+$0x0] =	vst.idx.msk $0xffff, v17  }
0x98: {  	s17 =	sadd.s32 s5, s14;
	s7 =	sand.u32 $0xFFF0000, s16;
	[tilespmem:v60+s28+$0x0] =	vst.idx.msk $0xffff, v18  }
0x99: {  	s13 =	simm.s32 $0x8400;
	s7 =	sadd.s32 s7, s17;
	[tilespmem:v61+s28+$0x0] =	vst.idx.msk $0xffff, v19  }
0x9a: {  	s14 =	simm.s32 $0x800;
	s16 =	simm.s32 $0x8608;
	s17 =	sadd.s32 $0x0, s7;
	[tilespmem:v63+s28+$0x0] =	vst.idx.msk $0xffff, v62  }
.LBB2_5:
0x9b: {  	[hbm4b:s17+s3] =	stream.linear.scatter [tilespmem:s13], [sflag:$0x3], $0x200, $0x38;
	[tilespmem:$0x10600] =	vst v63  }
0x9c: {  	s8 =	smov.u32 s14;
	s13 =	smov.u32 s16;
	p0 =	sne.s32 s14, $0xF800  }
.Ltmp1:
0x9d: {  	s14 =	sadd.s32 $0x800, s14;
	(pc) =	sbr.rel @p0 .LBB2_5-.Ltmp1, $2  }
0x9e: {  	_ =	sdelay $0x2  }
0x9f: {  	s16 =	sadd.s32 $0x208, s16;
	s17 =	sadd.s32 s8, s7  }
0xa0: {  	[hbm4b:s17+s3] =	stream.linear.scatter [tilespmem:s13], [sflag:$0x3], $0x200, $0x38;
	[tilespmem:$0x10600] =	vst v63  }
0xa1: {  	s13 =	sadd.s32 s6, s15;
	p0 =	seq.s32 s12, $0x18;
	_ =	swait.ge [sflag:s29], $0x4000  }
0xa2: {  	s7 =	sshll.u32 @!p0 s13, $0x6;
	[sflag:s29] =	ssyncset.done $0x0  }
0xa3: {  	s8 =	simm.s32 @!p0 $0x0;
	s7 =	sadd.s32 @!p0 s9, s7;
	[sflag:s29] =	ssyncadd.s32 $0xFFFFC000  }
0xa4: {  	[tilespmem:s8], [sflag:$0x5] =	stream.linear.gather @!p0 [hbm4b:s7+s8], $0x200, $0x38;
	[tilespmem:$0x10600] =	vst v63  }
0xa5: {  	s7 =	simm.s32 @!p0 $0x5  }
0xa6: {  	_ =	swait.ge @!p0 [sflag:s7], $0x200  }
0xa7: {  	[sflag:s7] =	ssyncset.done @!p0 $0x0  }
0xa8: {  	s14 =	simm.s32 @!p0 $0x400;
	[sflag:s7] =	ssyncadd.s32 @!p0 $0xFFFFFE00;
	s7 =	simm.s32 @!p0 $0x80  }
0xa9: {  	[tilespmem:s14], [sflag:$0x1] =	stream.indirect.gather @!p0 [hbm4b:s4+s7], $0x20, s8, s7, $0xb8;
	[tilespmem:$0x10600] =	vst v63  }
0xaa: {  	s8 =	simm.s32 @!p0 $0x1400  }
0xab: {  	[tilespmem:s8], [sflag:$0x1] =	stream.indirect.gather @!p0 [hbm4b:s4+s7], $0x20, s7, s7, $0xb8;
	[tilespmem:$0x10600] =	vst v63  }
0xac: {  	s14 =	simm.s32 @!p0 $0x2400;
	s8 =	simm.s32 @!p0 $0x100  }
0xad: {  	[tilespmem:s14], [sflag:$0x1] =	stream.indirect.gather @!p0 [hbm4b:s4+s7], $0x20, s8, s7, $0xb8;
	[tilespmem:$0x10600] =	vst v63  }
0xae: {  	s8 =	simm.s32 @!p0 $0x180;
	s14 =	simm.s32 @!p0 $0x3400  }
0xaf: {  	[tilespmem:s14], [sflag:$0x1] =	stream.indirect.gather @!p0 [hbm4b:s4+s7], $0x20, s8, s7, $0xb8;
	[tilespmem:$0x10600] =	vst v63  }
0xb0: {  	s8 =	simm.s32 $0xF  }
0xb1: {  	p1 =	seq.s32 @!p0 s12, $0x0;
	s14 =	simm.s32 $0x0;
	v17 =	vmov s8  }
0xb2: {  	p0 =	por p0, !p1;
	v18 =	vmov s14;
	v17 =	vshrl.u32 v17, $0x3  }
0xb3: {  	_ =	swait.ge @p0 [sflag:s1], $0x4000;
	v18 =	vshrl.u32 v18, $0x3;
	v17 =	vshll.u32 v17, v1  }
0xb4: {  	s15 =	simm.s32 $0x1;
	[sflag:s1] =	ssyncset.done @p0 $0x0;
	v18 =	vshll.u32 v18, v1;
	v17 =	vbroadcast v17, $0x0  }
0xb5: {  	v19 =	vmov s15;
	s14 =	simm.s32 $0x4500;
	[sflag:s1] =	ssyncadd.s32 @p0 $0xFFFFC000;
	v18 =	vbroadcast v18, $0x0  }
0xb6: {  	s16 =	simm.s32 $0x2;
	v19 =	vshrl.u32 v19, $0x3;
	v20 =	vld [tilespmem:s14+$0xE0];
	v21 =	vadd.s32 v15, v17  }
0xb7: {  	v22 =	vmov s16;
	v19 =	vshll.u32 v19, v1;
	v24 =	vld [tilespmem:s14+$0xFFFFFF00];
	v25 =	vadd.s32 v0, v18  }
0xb8: {  	s17 =	simm.s32 $0x3;
	v22 =	vshrl.u32 v22, $0x3;
	v19 =	vbroadcast v19, $0x0;
	v23 =	vld [tilespmem:s14+$0xF0];
	v17 =	vadd.s32 v16, v17  }
0xb9: {  	v27 =	vmov s17;
	v22 =	vshll.u32 v22, v1;
	v26 =	vld [tilespmem:s14+$0xFFFFFF10];
	v18 =	vadd.s32 v2, v18  }
0xba: {  	v27 =	vshrl.u32 v27, $0x3;
	v22 =	vbroadcast v22, $0x0;
	v29 =	vadd.s32 v3, v19;
	s8 =	simm.s32 $0x4;
	v28 =	vld [tilespmem:s14+$0xFFFFFF20]  }
0xbb: {  	v27 =	vshll.u32 v27, v1;
	v19 =	vadd.s32 v4, v19;
	v31 =	vmov s8;
	v30 =	vld [tilespmem:s14+$0xFFFFFF30];
	[tilespmem:v21+s30+$0x0] =	vst.idx.msk $0xffff, v20  }
0xbc: {  	s15 =	simm.s32 $0x5;
	v27 =	vbroadcast v27, $0x0;
	v31 =	vshrl.u32 v31, $0x3;
	v20 =	vld [tilespmem:s14+$0xFFFFFF40];
	v21 =	vadd.s32 v5, v22;
	[tilespmem:v25+s30+$0x0] =	vst.idx.msk $0xffff, v24  }
0xbd: {  	v22 =	vadd.s32 v6, v22;
	v24 =	vmov s15;
	[tilespmem:v17+s30+$0x0] =	vst.idx.msk $0xffff, v23;
	v17 =	vld [tilespmem:s14+$0xFFFFFF50];
	v23 =	vshll.u32 v31, v1  }
0xbe: {  	s16 =	simm.s32 $0x6;
	v25 =	vadd.s32 v7, v27;
	[tilespmem:v18+s30+$0x0] =	vst.idx.msk $0xffff, v26;
	v18 =	vld [tilespmem:s14+$0xFFFFFF60];
	v24 =	vshrl.u32 v24, $0x3;
	v23 =	vbroadcast v23, $0x0  }
0xbf: {  	[tilespmem:v29+s30+$0x0] =	vst.idx.msk $0xffff, v28;
	v28 =	vmov s16;
	v27 =	vadd.s32 v8, v27;
	v26 =	vld [tilespmem:s14+$0xFFFFFF70];
	v24 =	vshll.u32 v24, v1  }
0xc0: {  	s17 =	simm.s32 $0x7;
	[tilespmem:v19+s30+$0x0] =	vst.idx.msk $0xffff, v30;
	v19 =	vld [tilespmem:s14+$0xFFFFFF80];
	v28 =	vshrl.u32 v28, $0x3;
	v24 =	vbroadcast v24, $0x0;
	v29 =	vadd.s32 v9, v23  }
0xc1: {  	[tilespmem:v21+s30+$0x0] =	vst.idx.msk $0xffff, v20;
	v20 =	vld [tilespmem:s14+$0xFFFFFF90];
	v21 =	vadd.s32 v10, v23;
	v23 =	vshll.u32 v28, v1;
	v28 =	vmov s17  }
0xc2: {  	s8 =	simm.s32 $0x8;
	[tilespmem:v22+s30+$0x0] =	vst.idx.msk $0xffff, v17;
	v17 =	vld [tilespmem:s14+$0xFFFFFFA0];
	v22 =	vadd.s32 v11, v24;
	v23 =	vbroadcast v23, $0x0;
	v28 =	vshrl.u32 v28, $0x3  }
0xc3: {  	[tilespmem:v25+s30+$0x0] =	vst.idx.msk $0xffff, v18;
	v18 =	vld [tilespmem:s14+$0xFFFFFFB0];
	v24 =	vadd.s32 v12, v24;
	v25 =	vshll.u32 v28, v1;
	v28 =	vmov s8  }
0xc4: {  	s15 =	simm.s32 $0x9;
	[tilespmem:v27+s30+$0x0] =	vst.idx.msk $0xffff, v26;
	v26 =	vld [tilespmem:s14+$0xFFFFFFC0];
	v27 =	vadd.s32 v13, v23;
	v25 =	vbroadcast v25, $0x0;
	v28 =	vshrl.u32 v28, $0x3  }
0xc5: {  	v23 =	vadd.s32 v14, v23;
	[tilespmem:v29+s30+$0x0] =	vst.idx.msk $0xffff, v19;
	v19 =	vld [tilespmem:s14+$0xFFFFFFD0];
	v28 =	vshll.u32 v28, v1;
	v29 =	vmov s15  }
0xc6: {  	s16 =	simm.s32 $0xA;
	[tilespmem:v21+s30+$0x0] =	vst.idx.msk $0xffff, v20;
	v20 =	vld [tilespmem:s14+$0xFFFFFFE0];
	v21 =	vadd.s32 v15, v25;
	v28 =	vbroadcast v28, $0x0;
	v29 =	vshrl.u32 v29, $0x3  }
0xc7: {  	[tilespmem:v22+s30+$0x0] =	vst.idx.msk $0xffff, v17;
	v17 =	vld [tilespmem:s14+$0xFFFFFFF0];
	v22 =	vadd.s32 v16, v25;
	v25 =	vshll.u32 v29, v1;
	v29 =	vmov s16  }
0xc8: {  	s17 =	simm.s32 $0xB;
	[tilespmem:v24+s30+$0x0] =	vst.idx.msk $0xffff, v18;
	v18 =	vld [tilespmem:s14+$0x0];
	v24 =	vadd.s32 v0, v28;
	v25 =	vbroadcast v25, $0x0;
	v29 =	vshrl.u32 v29, $0x3  }
0xc9: {  	[tilespmem:v27+s30+$0x0] =	vst.idx.msk $0xffff, v26;
	v26 =	vld [tilespmem:s14+$0x10];
	v27 =	vadd.s32 v2, v28;
	v28 =	vshll.u32 v29, v1;
	v29 =	vmov s17  }
0xca: {  	s8 =	simm.s32 $0xC;
	[tilespmem:v23+s30+$0x0] =	vst.idx.msk $0xffff, v19;
	v19 =	vld [tilespmem:s14+$0x20];
	v23 =	vadd.s32 v3, v25;
	v28 =	vbroadcast v28, $0x0;
	v29 =	vshrl.u32 v29, $0x3  }
0xcb: {  	v30 =	vld [tilespmem:s14+$0x30];
	v31 =	vadd.s32 v4, v25;
	[tilespmem:v21+s30+$0x0] =	vst.idx.msk $0xffff, v20;
	v20 =	vshll.u32 v29, v1;
	v21 =	vmov s8  }
0xcc: {  	s15 =	simm.s32 $0xD;
	[tilespmem:v22+s30+$0x0] =	vst.idx.msk $0xffff, v17;
	v22 =	vld [tilespmem:s14+$0x40];
	v29 =	vadd.s32 v5, v28;
	v32 =	vbroadcast v20, $0x0;
	v17 =	vshrl.u32 v21, $0x3  }
0xcd: {  	v20 =	vld [tilespmem:s14+$0x50];
	v25 =	vadd.s32 v6, v28;
	[tilespmem:v24+s30+$0x0] =	vst.idx.msk $0xffff, v18;
	v18 =	vshll.u32 v17, v1;
	v24 =	vmov s15  }
0xce: {  	s16 =	simm.s32 $0xE;
	v17 =	vld [tilespmem:s14+$0x60];
	[tilespmem:v27+s30+$0x0] =	vst.idx.msk $0xffff, v26;
	v21 =	vadd.s32 v7, v32;
	v33 =	vbroadcast v18, $0x0;
	v18 =	vshrl.u32 v24, $0x3  }
0xcf: {  	v28 =	vmov s16;
	[tilespmem:v23+s30+$0x0] =	vst.idx.msk $0xffff, v19;
	v19 =	vld [tilespmem:s14+$0x70];
	v23 =	vadd.s32 v8, v32;
	v18 =	vshll.u32 v18, v1  }
0xd0: {  	s17 =	simm.s32 $0x1F;
	v24 =	vld [tilespmem:s14+$0x80];
	[tilespmem:v31+s30+$0x0] =	vst.idx.msk $0xffff, v30;
	v26 =	vadd.s32 v9, v33;
	v27 =	vbroadcast v18, $0x0;
	v30 =	vshrl.u32 v28, $0x3  }
0xd1: {  	s7 =	simm.s32 $0x20;
	s15 =	simm.s32 $0x10;
	v28 =	vmov s17;
	v18 =	vld [tilespmem:s14+$0x90];
	[tilespmem:v29+s30+$0x0] =	vst.idx.msk $0xffff, v22;
	v22 =	vadd.s32 v10, v33;
	v29 =	vshll.u32 v30, v1  }
.LBB2_7:
0xd2: {  	p0 =	slt.u32 s7, $0x1F0;
	v28 =	vshrl.u32 v28, $0x3;
	[tilespmem:v25+s30+$0x0] =	vst.idx.msk $0xffff, v20;
	v20 =	vld [tilespmem:s14+$0xA0];
	v25 =	vadd.s32 v11, v27;
	v29 =	vbroadcast v29, $0x0  }
0xd3: {  	v30 =	vmov s15;
	v28 =	vshll.u32 v28, v1;
	[tilespmem:v21+s30+$0x0] =	vst.idx.msk $0xffff, v17;
	v17 =	vld [tilespmem:s14+$0xB0];
	v21 =	vadd.s32 v12, v27  }
0xd4: {  	s8 =	sadd.s32 $0x1, s15;
	v27 =	vshrl.u32 v30, $0x3;
	v28 =	vbroadcast v28, $0x0;
	[tilespmem:v23+s30+$0x0] =	vst.idx.msk $0xffff, v19;
	v19 =	vld [tilespmem:s14+$0xC0];
	v23 =	vadd.s32 v13, v29  }
0xd5: {  	v30 =	vmov s8;
	v27 =	vshll.u32 v27, v1;
	[tilespmem:v26+s30+$0x0] =	vst.idx.msk $0xffff, v24;
	v24 =	vld [tilespmem:s14+$0xD0];
	v26 =	vadd.s32 v14, v29;
	s14 =	sadd.s32 $0x200, s14  }
0xd6: {  	s8 =	sadd.s32 $0x2, s15;
	v27 =	vbroadcast v27, $0x0;
	v29 =	vshrl.u32 v30, $0x3;
	v30 =	vld [tilespmem:s14+$0xE0];
	v31 =	vadd.s32 v15, v28;
	[tilespmem:v22+s30+$0x0] =	vst.idx.msk $0xffff, v18  }
0xd7: {  	v18 =	vshll.u32 v29, v1;
	v22 =	vmov s8;
	v28 =	vadd.s32 v16, v28;
	v29 =	vld [tilespmem:s14+$0xF0];
	[tilespmem:v25+s30+$0x0] =	vst.idx.msk $0xffff, v20  }
0xd8: {  	s8 =	sadd.s32 $0x3, s15;
	v25 =	vadd.s32 v0, v27;
	v18 =	vbroadcast v18, $0x0;
	v22 =	vshrl.u32 v22, $0x3;
	v20 =	vld [tilespmem:s14+$0xFFFFFF00];
	[tilespmem:v21+s30+$0x0] =	vst.idx.msk $0xffff, v17  }
0xd9: {  	v21 =	vadd.s32 v2, v27;
	v22 =	vshll.u32 v22, v1;
	v27 =	vmov s8;
	v17 =	vld [tilespmem:s14+$0xFFFFFF10];
	[tilespmem:v23+s30+$0x0] =	vst.idx.msk $0xffff, v19  }
0xda: {  	s8 =	sadd.s32 $0x4, s15;
	v23 =	vadd.s32 v3, v18;
	v22 =	vbroadcast v22, $0x0;
	v27 =	vshrl.u32 v27, $0x3;
	v19 =	vld [tilespmem:s14+$0xFFFFFF20];
	[tilespmem:v26+s30+$0x0] =	vst.idx.msk $0xffff, v24  }
0xdb: {  	v18 =	vadd.s32 v4, v18;
	v26 =	vshll.u32 v27, v1;
	v27 =	vmov s8;
	v24 =	vld [tilespmem:s14+$0xFFFFFF30];
	[tilespmem:v31+s30+$0x0] =	vst.idx.msk $0xffff, v30  }
0xdc: {  	s8 =	sadd.s32 $0x5, s15;
	v31 =	vadd.s32 v5, v22;
	v26 =	vbroadcast v26, $0x0;
	v27 =	vshrl.u32 v27, $0x3;
	v30 =	vld [tilespmem:s14+$0xFFFFFF40];
	[tilespmem:v28+s30+$0x0] =	vst.idx.msk $0xffff, v29  }
0xdd: {  	v22 =	vadd.s32 v6, v22;
	[tilespmem:v25+s30+$0x0] =	vst.idx.msk $0xffff, v20;
	v20 =	vld [tilespmem:s14+$0xFFFFFF50];
	v25 =	vshll.u32 v27, v1;
	v27 =	vmov s8  }
0xde: {  	s8 =	sadd.s32 $0x6, s15;
	[tilespmem:v21+s30+$0x0] =	vst.idx.msk $0xffff, v17;
	v17 =	vld [tilespmem:s14+$0xFFFFFF60];
	v21 =	vadd.s32 v7, v26;
	v25 =	vbroadcast v25, $0x0;
	v27 =	vshrl.u32 v27, $0x3  }
0xdf: {  	[tilespmem:v23+s30+$0x0] =	vst.idx.msk $0xffff, v19;
	v19 =	vld [tilespmem:s14+$0xFFFFFF70];
	v23 =	vadd.s32 v8, v26;
	v26 =	vshll.u32 v27, v1;
	v27 =	vmov s8  }
0xe0: {  	s8 =	sadd.s32 $0x7, s15;
	[tilespmem:v18+s30+$0x0] =	vst.idx.msk $0xffff, v24;
	v18 =	vld [tilespmem:s14+$0xFFFFFF80];
	v24 =	vadd.s32 v9, v25;
	v26 =	vbroadcast v26, $0x0;
	v27 =	vshrl.u32 v27, $0x3  }
0xe1: {  	v25 =	vadd.s32 v10, v25;
	v29 =	vmov s8;
	[tilespmem:v31+s30+$0x0] =	vst.idx.msk $0xffff, v30;
	v28 =	vld [tilespmem:s14+$0xFFFFFF90];
	v27 =	vshll.u32 v27, v1  }
0xe2: {  	s8 =	sadd.s32 $0x8, s15;
	v29 =	vshrl.u32 v29, $0x3;
	[tilespmem:v22+s30+$0x0] =	vst.idx.msk $0xffff, v20;
	v20 =	vld [tilespmem:s14+$0xFFFFFFA0];
	v22 =	vadd.s32 v11, v26;
	v27 =	vbroadcast v27, $0x0  }
0xe3: {  	[tilespmem:v21+s30+$0x0] =	vst.idx.msk $0xffff, v17;
	v17 =	vld [tilespmem:s14+$0xFFFFFFB0];
	v21 =	vadd.s32 v12, v26;
	v26 =	vshll.u32 v29, v1;
	v29 =	vmov s8  }
0xe4: {  	s8 =	sadd.s32 $0x9, s15;
	[tilespmem:v23+s30+$0x0] =	vst.idx.msk $0xffff, v19;
	v19 =	vld [tilespmem:s14+$0xFFFFFFC0];
	v23 =	vadd.s32 v13, v27;
	v26 =	vbroadcast v26, $0x0;
	v29 =	vshrl.u32 v29, $0x3  }
0xe5: {  	[tilespmem:v24+s30+$0x0] =	vst.idx.msk $0xffff, v18;
	v18 =	vld [tilespmem:s14+$0xFFFFFFD0];
	v24 =	vadd.s32 v14, v27;
	v27 =	vshll.u32 v29, v1;
	v29 =	vmov s8  }
0xe6: {  	s8 =	sadd.s32 $0xA, s15;
	[tilespmem:v25+s30+$0x0] =	vst.idx.msk $0xffff, v28;
	v25 =	vld [tilespmem:s14+$0xFFFFFFE0];
	v28 =	vadd.s32 v15, v26;
	v27 =	vbroadcast v27, $0x0;
	v29 =	vshrl.u32 v29, $0x3  }
0xe7: {  	[tilespmem:v22+s30+$0x0] =	vst.idx.msk $0xffff, v20;
	v20 =	vld [tilespmem:s14+$0xFFFFFFF0];
	v22 =	vadd.s32 v16, v26;
	v26 =	vshll.u32 v29, v1;
	v29 =	vmov s8  }
0xe8: {  	s8 =	sadd.s32 $0xB, s15;
	[tilespmem:v21+s30+$0x0] =	vst.idx.msk $0xffff, v17;
	v17 =	vld [tilespmem:s14+$0x0];
	v21 =	vadd.s32 v0, v27;
	v26 =	vbroadcast v26, $0x0;
	v29 =	vshrl.u32 v29, $0x3  }
0xe9: {  	[tilespmem:v23+s30+$0x0] =	vst.idx.msk $0xffff, v19;
	v19 =	vld [tilespmem:s14+$0x10];
	v23 =	vadd.s32 v2, v27;
	v27 =	vshll.u32 v29, v1;
	v29 =	vmov s8  }
0xea: {  	s8 =	sadd.s32 $0xC, s15;
	[tilespmem:v24+s30+$0x0] =	vst.idx.msk $0xffff, v18;
	v18 =	vld [tilespmem:s14+$0x20];
	v24 =	vadd.s32 v3, v26;
	v27 =	vbroadcast v27, $0x0;
	v29 =	vshrl.u32 v29, $0x3  }
0xeb: {  	v26 =	vadd.s32 v4, v26;
	[tilespmem:v28+s30+$0x0] =	vst.idx.msk $0xffff, v25;
	v28 =	vld [tilespmem:s14+$0x30];
	v25 =	vshll.u32 v29, v1;
	v29 =	vmov s8  }
0xec: {  	s8 =	sadd.s32 $0xD, s15;
	[tilespmem:v22+s30+$0x0] =	vst.idx.msk $0xffff, v20;
	v22 =	vld [tilespmem:s14+$0x40];
	v30 =	vadd.s32 v5, v27;
	v31 =	vbroadcast v25, $0x0;
	v29 =	vshrl.u32 v29, $0x3  }
.Ltmp2:
0xed: {  	v25 =	vadd.s32 v6, v27;
	[tilespmem:v21+s30+$0x0] =	vst.idx.msk $0xffff, v17;
	v20 =	vld [tilespmem:s14+$0x50];
	v27 =	vshll.u32 v29, v1;
	v29 =	vmov s8;
	(pc) =	sbr.rel @p0 .LBB2_7-.Ltmp2, $4  }
0xee: {  	s8 =	sadd.s32 $0xE, s15;
	s15 =	smov.u32 s7;
	[tilespmem:v23+s30+$0x0] =	vst.idx.msk $0xffff, v19;
	v17 =	vld [tilespmem:s14+$0x60];
	v21 =	vadd.s32 v7, v31;
	v32 =	vbroadcast v27, $0x0;
	v27 =	vshrl.u32 v29, $0x3  }
0xef: {  	v23 =	vadd.s32 v8, v31;
	v29 =	vmov s8;
	[tilespmem:v24+s30+$0x0] =	vst.idx.msk $0xffff, v18;
	v19 =	vld [tilespmem:s14+$0x70];
	v18 =	vshll.u32 v27, v1  }
0xf0: {  	s8 =	sadd.s32 $0xF, s7;
	v29 =	vshrl.u32 v29, $0x3;
	[tilespmem:v26+s30+$0x0] =	vst.idx.msk $0xffff, v28;
	v24 =	vld [tilespmem:s14+$0x80];
	v26 =	vadd.s32 v9, v32;
	v27 =	vbroadcast v18, $0x0  }
0xf1: {  	s7 =	sadd.s32 $0x10, s7;
	v28 =	vmov s8;
	v29 =	vshll.u32 v29, v1;
	[tilespmem:v30+s30+$0x0] =	vst.idx.msk $0xffff, v22;
	v18 =	vld [tilespmem:s14+$0x90];
	v22 =	vadd.s32 v10, v32  }
0xf2: {  	v28 =	vshrl.u32 v28, $0x3  }
0xf3: {  	v55 =	vadd.s32 v11, v27;
	v29 =	vbroadcast v29, $0x0;
	v30 =	vmov s15  }
0xf4: {  	v56 =	vadd.s32 v12, v27;
	s7 =	sadd.s32 $0x1, s15;
	s8 =	sadd.s32 $0x2, s15;
	s17 =	sadd.s32 $0x3, s15;
	v28 =	vshll.u32 v28, v1;
	v57 =	vshrl.u32 v30, $0x3  }
0xf5: {  	v54 =	vld [tilespmem:s14+$0xA0];
	s16 =	sadd.s32 $0x5, s15;
	v59 =	vmov s7;
	v32 =	vmov s8;
	v37 =	vmov s17  }
0xf6: {  	v60 =	vld [tilespmem:s14+$0xD0];
	[tilespmem:v21+s30+$0x0] =	vst.idx.msk $0xffff, v17;
	v46 =	vmov s16;
	v28 =	vbroadcast v28, $0x0;
	v58 =	vadd.s32 v13, v29  }
0xf7: {  	v17 =	vld [tilespmem:s14+$0xB0];
	s17 =	sadd.s32 $0x6, s15;
	[tilespmem:v23+s30+$0x0] =	vst.idx.msk $0xffff, v19;
	v27 =	vshll.u32 v57, v1;
	v61 =	vadd.s32 v14, v29;
	v62 =	vshrl.u32 v59, $0x3  }
0xf8: {  	s7 =	sadd.s32 $0x200, s14;
	v19 =	vld [tilespmem:s14+$0xC0];
	s14 =	sadd.s32 $0x4, s15;
	v50 =	vmov s17;
	[tilespmem:v26+s30+$0x0] =	vst.idx.msk $0xffff, v24;
	v27 =	vbroadcast v27, $0x0;
	v31 =	vadd.s32 v15, v28  }
0xf9: {  	v63 =	vld [tilespmem:s7+$0xE0];
	s17 =	sadd.s32 $0x9, s15;
	v41 =	vmov s14;
	s14 =	sadd.s32 $0x7, s15;
	[tilespmem:v22+s30+$0x0] =	vst.idx.msk $0xffff, v18;
	v18 =	vshll.u32 v62, v1;
	v28 =	vadd.s32 v16, v28  }
0xfa: {  	[tilespmem:v25+s30+$0x0] =	vst.idx.msk $0xffff, v20;
	v33 =	vld [tilespmem:s7+$0xF0];
	v22 =	vshrl.u32 v32, $0x3;
	v53 =	vmov s14;
	v62 =	vmov s17  }
0xfb: {  	v34 =	vld [tilespmem:s7+$0xFFFFFF00];
	[tilespmem:v55+s30+$0x0] =	vst.idx.msk $0xffff, v54;
	v35 =	vadd.s32 v0, v27;
	v18 =	vbroadcast v18, $0x0;
	v36 =	vadd.s32 v2, v27  }
0xfc: {  	v39 =	vld [tilespmem:s7+$0xFFFFFF30];
	v22 =	vshll.u32 v22, v1;
	v27 =	vshrl.u32 v37, $0x3;
	v29 =	vshrl.u32 v53, $0x3;
	[tilespmem:v56+s30+$0x0] =	vst.idx.msk $0xffff, v17  }
0xfd: {  	v17 =	vld [tilespmem:s7+$0xFFFFFF10];
	v22 =	vbroadcast v22, $0x0;
	v40 =	vshll.u32 v27, v1;
	v57 =	vshll.u32 v29, v1;
	[tilespmem:v58+s30+$0x0] =	vst.idx.msk $0xffff, v19  }
0xfe: {  	v27 =	vshrl.u32 v41, $0x3;
	v19 =	vld [tilespmem:s7+$0xFFFFFF20];
	v38 =	vadd.s32 v3, v18;
	v18 =	vadd.s32 v4, v18;
	[tilespmem:v61+s30+$0x0] =	vst.idx.msk $0xffff, v60  }
0xff: {  	s16 =	sadd.s32 $0x8, s15;
	v42 =	vld [tilespmem:s7+$0xFFFFFF40];
	v26 =	vbroadcast v40, $0x0;
	v45 =	vshll.u32 v27, v1;
	v27 =	vshrl.u32 v46, $0x3;
	[tilespmem:v31+s30+$0x0] =	vst.idx.msk $0xffff, v63  }
0x100: {  	v44 =	vld [tilespmem:s7+$0xFFFFFF50];
	v58 =	vmov s16;
	v43 =	vadd.s32 v5, v22;
	v22 =	vadd.s32 v6, v22;
	[tilespmem:v28+s30+$0x0] =	vst.idx.msk $0xffff, v33  }
0x101: {  	v52 =	vld [tilespmem:s7+$0xFFFFFF90];
	v25 =	vbroadcast v45, $0x0;
	v49 =	vshll.u32 v27, v1;
	v27 =	vshrl.u32 v50, $0x3;
	[tilespmem:v35+s30+$0x0] =	vst.idx.msk $0xffff, v34  }
0x102: {  	v47 =	vadd.s32 v7, v26;
	v48 =	vadd.s32 v8, v26;
	v26 =	vbroadcast v49, $0x0;
	[tilespmem:v36+s30+$0x0] =	vst.idx.msk $0xffff, v17;
	v17 =	vld [tilespmem:s7+$0xFFFFFF60]  }
0x103: {  	v29 =	vshrl.u32 v58, $0x3;
	v27 =	vshll.u32 v27, v1;
	v51 =	vadd.s32 v9, v25;
	[tilespmem:v38+s30+$0x0] =	vst.idx.msk $0xffff, v19;
	v19 =	vld [tilespmem:s7+$0xFFFFFF70]  }
0x104: {  	s16 =	sadd.s32 $0xB, s15;
	v55 =	vadd.s32 v11, v26;
	v56 =	vadd.s32 v12, v26;
	v26 =	vbroadcast v57, $0x0;
	[tilespmem:v18+s30+$0x0] =	vst.idx.msk $0xffff, v39;
	v18 =	vld [tilespmem:s7+$0xFFFFFF80]  }
0x105: {  	v54 =	vld [tilespmem:s7+$0xFFFFFFA0];
	v40 =	vmov s16;
	v61 =	vshll.u32 v29, v1;
	v27 =	vbroadcast v27, $0x0;
	[tilespmem:v43+s30+$0x0] =	vst.idx.msk $0xffff, v42  }
0x106: {  	s14 =	sadd.s32 $0xA, s15;
	v63 =	vld [tilespmem:s7+$0xFFFFFFE0];
	v29 =	vshrl.u32 v62, $0x3;
	v25 =	vadd.s32 v10, v25;
	v32 =	vadd.s32 v15, v26;
	[tilespmem:v22+s30+$0x0] =	vst.idx.msk $0xffff, v44  }
0x107: {  	v35 =	vshll.u32 v29, v1;
	v36 =	vmov s14;
	v59 =	vadd.s32 v13, v27;
	[tilespmem:v47+s30+$0x0] =	vst.idx.msk $0xffff, v17;
	v17 =	vld [tilespmem:s7+$0xFFFFFFB0]  }
0x108: {  	v60 =	vadd.s32 v14, v27;
	v27 =	vbroadcast v61, $0x0;
	v29 =	vshrl.u32 v36, $0x3;
	[tilespmem:v48+s30+$0x0] =	vst.idx.msk $0xffff, v19;
	v19 =	vld [tilespmem:s7+$0xFFFFFFC0]  }
0x109: {  	s17 =	sadd.s32 $0xC, s15;
	v34 =	vadd.s32 v16, v26;
	v39 =	vshll.u32 v29, v1;
	v29 =	vshrl.u32 v40, $0x3;
	[tilespmem:v51+s30+$0x0] =	vst.idx.msk $0xffff, v18;
	v18 =	vld [tilespmem:s7+$0xFFFFFFD0]  }
0x10a: {  	v45 =	vld [tilespmem:s7+$0x40];
	v37 =	vadd.s32 v0, v27;
	v38 =	vadd.s32 v2, v27;
	v44 =	vmov s17;
	[tilespmem:v55+s30+$0x0] =	vst.idx.msk $0xffff, v54  }
0x10b: {  	v33 =	vld [tilespmem:s7+$0xFFFFFFF0];
	v27 =	vbroadcast v39, $0x0;
	v43 =	vshll.u32 v29, v1;
	v29 =	vshrl.u32 v44, $0x3;
	[tilespmem:v32+s30+$0x0] =	vst.idx.msk $0xffff, v63  }
0x10c: {  	v26 =	vbroadcast v35, $0x0;
	v48 =	vshll.u32 v29, v1;
	[tilespmem:v56+s30+$0x0] =	vst.idx.msk $0xffff, v17;
	v17 =	vld [tilespmem:s7+$0x0]  }
0x10d: {  	v46 =	vadd.s32 v5, v27;
	v47 =	vadd.s32 v6, v27;
	v27 =	vbroadcast v48, $0x0;
	[tilespmem:v59+s30+$0x0] =	vst.idx.msk $0xffff, v19;
	v19 =	vld [tilespmem:s7+$0x10]  }
0x10e: {  	v41 =	vadd.s32 v3, v26;
	[tilespmem:v60+s30+$0x0] =	vst.idx.msk $0xffff, v18;
	v18 =	vld [tilespmem:s7+$0x20]  }
0x10f: {  	v54 =	vld [tilespmem:s7+$0x80];
	[tilespmem:v25+s30+$0x0] =	vst.idx.msk $0xffff, v52;
	v55 =	vadd.s32 v9, v27  }
0x110: {  	s14 =	sadd.s32 $0xD, s15;
	v42 =	vld [tilespmem:s7+$0x30];
	v28 =	vbroadcast v43, $0x0;
	[tilespmem:v34+s30+$0x0] =	vst.idx.msk $0xffff, v33  }
0x111: {  	v49 =	vmov s14;
	[tilespmem:v37+s30+$0x0] =	vst.idx.msk $0xffff, v17;
	v17 =	vld [tilespmem:s7+$0x50]  }
0x112: {  	s15 =	sadd.s32 $0xE, s15;
	v50 =	vadd.s32 v7, v28;
	v29 =	vshrl.u32 v49, $0x3;
	[tilespmem:v38+s30+$0x0] =	vst.idx.msk $0xffff, v19;
	v19 =	vld [tilespmem:s7+$0x60]  }
0x113: {  	v53 =	vmov s15;
	v51 =	vadd.s32 v8, v28;
	v52 =	vshll.u32 v29, v1;
	[tilespmem:v41+s30+$0x0] =	vst.idx.msk $0xffff, v18;
	v18 =	vld [tilespmem:s7+$0x70]  }
0x114: {  	v29 =	vshrl.u32 v53, $0x3;
	v28 =	vbroadcast v52, $0x0;
	v57 =	vadd.s32 v10, v27;
	v56 =	vld [tilespmem:s7+$0x90];
	[tilespmem:v55+s30+$0x0] =	vst.idx.msk $0xffff, v54  }
0x115: {  	v26 =	vadd.s32 v4, v26;
	v58 =	vshll.u32 v29, v1;
	[tilespmem:v46+s30+$0x0] =	vst.idx.msk $0xffff, v45  }
0x116: {  	v27 =	vbroadcast v58, $0x0;
	v59 =	vadd.s32 v11, v28;
	[tilespmem:v47+s30+$0x0] =	vst.idx.msk $0xffff, v17;
	v17 =	vld [tilespmem:s7+$0xA0]  }
0x117: {  	v60 =	vadd.s32 v12, v28;
	[tilespmem:v50+s30+$0x0] =	vst.idx.msk $0xffff, v19;
	v19 =	vld [tilespmem:s7+$0xB0]  }
0x118: {  	v61 =	vadd.s32 v13, v27;
	[tilespmem:v51+s30+$0x0] =	vst.idx.msk $0xffff, v18;
	v18 =	vld [tilespmem:s7+$0xC0]  }
0x119: {  	v62 =	vld [tilespmem:s7+$0xD0];
	v63 =	vadd.s32 v14, v27;
	[tilespmem:v57+s30+$0x0] =	vst.idx.msk $0xffff, v56  }
0x11a: {  	s16 =	sshll.u32 s13, $0x6;
	[tilespmem:v26+s30+$0x0] =	vst.idx.msk $0xffff, v42  }
0x11b: {  	s17 =	sshll.u32 s13, $0xB;
	s7 =	sand.u32 $0x7C0, s16;
	[tilespmem:v59+s30+$0x0] =	vst.idx.msk $0xffff, v17  }
0x11c: {  	s8 =	sand.u32 $0xFFF0000, s17;
	s7 =	sadd.s32 s5, s7;
	[tilespmem:v60+s30+$0x0] =	vst.idx.msk $0xffff, v19  }
0x11d: {  	s14 =	simm.s32 $0x800;
	s7 =	sadd.s32 s8, s7;
	[tilespmem:v61+s30+$0x0] =	vst.idx.msk $0xffff, v18  }
0x11e: {  	s15 =	simm.s32 $0xC708;
	s13 =	simm.s32 $0xC500;
	s16 =	sadd.s32 $0x0, s7;
	[tilespmem:v63+s30+$0x0] =	vst.idx.msk $0xffff, v62  }
.LBB2_9:
0x11f: {  	[hbm4b:s16+s3] =	stream.linear.scatter [tilespmem:s13], [sflag:$0x4], $0x200, $0x38;
	[tilespmem:$0x10600] =	vst v63  }
0x120: {  	s8 =	smov.u32 s14;
	s13 =	smov.u32 s15;
	p0 =	sne.s32 s14, $0xF800  }
.Ltmp3:
0x121: {  	s14 =	sadd.s32 $0x800, s14;
	(pc) =	sbr.rel @p0 .LBB2_9-.Ltmp3, $2  }
0x122: {  	_ =	sdelay $0x2  }
0x123: {  	s15 =	sadd.s32 $0x208, s15;
	s16 =	sadd.s32 s8, s7  }
0x124: {  	s12 =	sadd.s32 $0x1, s12  }
0x125: {  	p0 =	sne.s32 s12, $0x19  }
.Ltmp4:
0x126: {  	_ = 	snop;
	(pc) =	sbr.rel @p0 .LBB2_2-.Ltmp4, $2  }
0x127: {  	_ =	sdelay $0x2  }
0x128: {  	[hbm4b:s16+s3] =	stream.linear.scatter [tilespmem:s13], [sflag:$0x4], $0x200, $0x38;
	[tilespmem:$0x10600] =	vst v63  }
0x129: {  	_ =	swait.ge [sflag:s31], $0x4000  }
0x12a: {  	[sflag:s31] =	ssyncset.done $0x0  }
0x12b: {  	[sflag:s31] =	ssyncadd.s32 $0xFFFFC000  }
0x12c: {  	_ =	swait.ge [sflag:s1], $0x4000  }
0x12d: {  	s0 =	sadd.s32 $0x1, s0;
	s7 =	rddreg [dreg:$0x4]  }
0x12e: {  	p0 =	sne.s32 s0, s7  }
.Ltmp5:
0x12f: {  	_ = 	snop;
	(pc) =	sbr.rel @p0 .LBB2_1-.Ltmp5, $3  }
0x130: {  	_ =	sdelay $0x1  }
0x131: {  	[sflag:s1] =	ssyncset.done $0x0  }
0x132: {  	[sflag:s1] =	ssyncadd.s32 $0xFFFFC000  }
0x133: {  	_ =	sfence.sel $0x180000  }
0x134: {  	[bflag:$0x0] =	sbarrier.arrive $0xFFFF  }
0x135: {  	_ =	strace $0x90000047  }
0x136: {  	s0 =	stileid.u32;
	[bflag:$0x2] =	sbarrier.arrive $0xFFFF  }
0x137: {  	p0 =	sne.s32 s0, $0x0;
	s0 =	rddreg [dreg:$0x2]  }
0x138: {  	s0 =	sadd.s32 @!p0 $0x100000, s0  }
0x139: {  	[sflag:s0] =	ssyncadd.tile.s32 @!p0 $0x1;
	_ =	shalt  }
.Lfunc_end2:
_tile_overlayer_lowered:
.L_overlay_start_2:
0x13a: {  	(tag) =	ssettag $0x2  }
0x13b: {  	s0 =	rddreg [dreg:$0x0];
	s2 =	stileid.u32  }
0x13c: {  	s1 =	rddreg [dreg:$0x1];
	p0 =	sne.s32 s2, $0x0  }
0x13d: {  	s3 =	rddreg [dreg:$0x2];
	[bflag:$0x3] =	sbarrier.arrive $0xFFFF;
	s2 =	simm.s32 @!p0 $0x1C05  }
0x13e: {  	[timem:s3], [sflag:s2] =	dma.local @!p0 [hbm:s0], s1  }
0x13f: {  	s0 =	simm.s32 @!p0 $0x5  }
0x140: {  	_ =	swait.ge @!p0 [sflag:s0], s1  }
0x141: {  	s1 =	ssub.s32 @!p0 $0x0, s1;
	[sflag:s0] =	ssyncset.done @!p0 $0x0  }
0x142: {  	[sflag:s0] =	ssyncadd.s32 @!p0 s1  }
0x143: {  	[bflag:$0x3] =	sbarrier.arrive $0xFFFF  }
0x144: {  	_ =	shalt  }

</sc_bundles>
